<compile_context>
chip_gen: v7x
topology: tpu7x:2x2x1
jax: 0.10.2.dev20260603
libtpu: 0.0.44.dev20260713+nightly
codegen_flags: <defaults>
</compile_context>

<pallas_src>
import functools

import jax
import jax.numpy as jnp
import numpy as np
from jax import lax
from jax.experimental import pallas as pl
from jax.experimental.pallas import tpu as pltpu
from jax.experimental.pallas import tpu_sc as plsc

B = 16384
F = 26
D = 16
NW = 32
ROWS_W = B // NW
CHUNK = 64
NCHUNK = ROWS_W // CHUNK
CF = CHUNK * F
IDX_W = ROWS_W * F

_mesh = plsc.VectorSubcoreMesh(core_axis_name="c", subcore_axis_name="s")


@functools.partial(
    pl.kernel,
    mesh=_mesh,
    out_type=jax.ShapeDtypeStruct((B,), jnp.float32),
    compiler_params=pltpu.CompilerParams(
        use_tc_tiling_on_sc=False, needs_layout_passes=False),
    scratch_types=[
        pltpu.VMEM((NCHUNK, CF), jnp.int32),
        pltpu.VMEM((CF, D), jnp.float32),
        pltpu.VMEM((CF + 16,), jnp.float32),
        pltpu.VMEM((ROWS_W + 16,), jnp.float32),
        pltpu.VMEM((16,), jnp.float32),
        pltpu.VMEM((16,), jnp.int32),
        pltpu.VMEM((16,), jnp.float32),
        pltpu.SemaphoreType.DMA,
        pltpu.SemaphoreType.DMA,
    ],
)
def _fm_sc(idx_hbm, t1_hbm, t2_hbm, bias_hbm, lane_hbm, tmask_hbm, out_hbm,
           idx_v, rows_v, lin_v, out_v, bias_v, lane_v, tmask_v, sem2, sem1):
    wid = lax.axis_index("s") * 2 + lax.axis_index("c")
    pltpu.sync_copy(idx_hbm.at[wid], idx_v)
    pltpu.sync_copy(bias_hbm, bias_v)
    pltpu.sync_copy(lane_hbm, lane_v)
    pltpu.sync_copy(tmask_hbm, tmask_v)
    lin_v[pl.ds(CF, 16)] = jnp.zeros((16,), jnp.float32)

    def chunk_body(c, carry0):
        idx_c = idx_v.at[c]
        cp2 = pltpu.async_copy(t2_hbm.at[idx_c], rows_v, sem2)
        cp1 = pltpu.async_copy(t1_hbm.at[idx_c], lin_v.at[pl.ds(0, CF)], sem1)
        cp2.wait()
        cp1.wait()

        def row_body(r, carry1):
            base = r * F
            v = rows_v[base]
            acc = v
            sq = v * v
            for f in range(1, F):
                v = rows_v[base + f]
                acc = acc + v
                sq = sq + v * v
            l0 = lin_v[pl.ds(base, 16)]
            l1 = lin_v[pl.ds(base + 16, 16)]
            w = (acc * acc - sq) * 0.5 + l0 + l1 * tmask_v[...]
            cs = plsc.cumsum(w)
            m15 = lane_v[...] == jnp.full((16,), 15, jnp.int32)
            plsc.store_compressed(
                out_v.at[pl.ds(c * CHUNK + r, 16)], cs, mask=m15)
            return carry1

        lax.fori_loop(0, CHUNK, row_body, 0)
        return carry0

    lax.fori_loop(0, NCHUNK, chunk_body, 0)

    bv = bias_v[...]
    for j in range(ROWS_W // 16):
        z = out_v[pl.ds(j * 16, 16)] + bv
        out_v[pl.ds(j * 16, 16)] = 1.0 / (1.0 + jnp.exp(-z))
    pltpu.sync_copy(out_v.at[pl.ds(0, ROWS_W)],
                    out_hbm.at[pl.ds(wid * ROWS_W, ROWS_W)])


def kernel(x, table1, table2, bias):
    offsets = jnp.arange(F, dtype=x.dtype) * 100000
    idx = (x + offsets[None, :]).astype(jnp.int32).reshape(NW, NCHUNK, CF)
    t1 = table1.reshape(-1)
    bias16 = jnp.broadcast_to(bias.astype(jnp.float32), (16,))
    lane16 = jnp.asarray(np.arange(16), jnp.int32)
    tmask16 = jnp.asarray(np.arange(16) < (F - 16), jnp.float32)
    out = _fm_sc(idx, t1, table2, bias16, lane16, tmask16)
    return out[:, None]

# --- scband reference (transcript-rebuilt; emitter-appended) ---
"""Pipeline reference for scband-fm-12025908428838 (READ-ONLY COPY).

The authoritative reference and input builder live on the scoring server;
editing this copy changes nothing except your own understanding.
"""

import jax, jax.numpy as jnp
import numpy as np

FIELD_DIMS = [100000] * 26
TOTAL_ROWS = int(np.sum(FIELD_DIMS))
EMBED_DIM = 16
BATCH = 16384
N_FIELDS = 26


def setup_inputs(seed: int = 0) -> dict:
    key = jax.random.key(seed)
    k1, k2, k3 = jax.random.split(key, 3)
    x = jax.random.randint(k1, (BATCH, N_FIELDS), 0, 100000)
    table1 = jax.random.normal(k2, (TOTAL_ROWS, 1), dtype=jnp.float32) * 0.01
    table2 = jax.random.normal(k3, (TOTAL_ROWS, EMBED_DIM), dtype=jnp.float32) * 0.01
    bias = jnp.zeros((1,), dtype=jnp.float32)
    return {"x": x, "table1": table1, "table2": table2, "bias": bias}


def reference(x, table1, table2, bias):
    # FeaturesEmbedding offsets: each field indexes into its own slice of the shared table
    offsets = jnp.asarray(
        np.concatenate([[0], np.cumsum(FIELD_DIMS)[:-1]]), dtype=x.dtype
    )
    idx = x + offsets[None, :]  # [B, F]

    e2 = jnp.take(table2, idx, axis=0)  # [B, F, D]
    square_sum = jnp.sum(jnp.sum(e2, axis=1) ** 2, axis=1)  # [B]
    sum_square = jnp.sum(jnp.sum(e2 ** 2, axis=1), axis=1)  # [B]

    e1 = jnp.take(table1, idx, axis=0)[..., 0]  # [B, F]
    linear = jnp.sum(e1, axis=1)  # [B]

    output = linear + bias + (square_sum - sum_square) / 2.0  # [B]
    output = jax.nn.sigmoid(output)[:, None]  # [B, 1]
    return output

if __name__ == "__main__":
    import jax
    _d = setup_inputs()
    print(jax.jit(kernel)(*tuple(_d.values())))

</pallas_src>

<mosaic_0001>
#map = affine_map<(d0, d1) -> (0, 0, 0)>
#map1 = affine_map<(d0, d1) -> (0)>
#map2 = affine_map<(d0, d1) -> (0, 0)>
module attributes {stable_mosaic.version = 14 : i64} {
  func.func @_fm_sc(%arg0: i32, %arg1: i32, %arg2: memref<32x8x1664xi32, #tpu.memory_space<hbm>>, %arg3: memref<2600000xf32, #tpu.memory_space<hbm>>, %arg4: memref<2600000x16xf32, #tpu.memory_space<hbm>>, %arg5: memref<16xf32, #tpu.memory_space<hbm>>, %arg6: memref<16xi32, #tpu.memory_space<hbm>>, %arg7: memref<16xf32, #tpu.memory_space<hbm>>, %arg8: memref<16384xf32, #tpu.memory_space<hbm>>, %arg9: memref<8x1664xi32, #tpu.memory_space<vmem>>, %arg10: memref<1664x16xf32, #tpu.memory_space<vmem>>, %arg11: memref<1680xf32, #tpu.memory_space<vmem>>, %arg12: memref<528xf32, #tpu.memory_space<vmem>>, %arg13: memref<16xf32, #tpu.memory_space<vmem>>, %arg14: memref<16xi32, #tpu.memory_space<vmem>>, %arg15: memref<16xf32, #tpu.memory_space<vmem>>, %arg16: memref<!tpu.dma_semaphore, #tpu.memory_space<semaphore_mem>>, %arg17: memref<!tpu.dma_semaphore, #tpu.memory_space<semaphore_mem>>) attributes {dimension_semantics = [#tpu.dimension_semantics<core_parallel>, #tpu.dimension_semantics<subcore_parallel>], iteration_bounds = array<i64: 2, 16>, scalar_prefetch = 0 : i64, scratch_operands = 9 : i64, tpu.core_type = #tpu.core_type<sc_vector_subcore>, window_params = [{transform_indices = #map}, {transform_indices = #map1}, {transform_indices = #map2}, {transform_indices = #map1}, {transform_indices = #map1}, {transform_indices = #map1}, {transform_indices = #map1}]} {
    %mul3A = arith.constant 2 : i32
    %mul3A_0 = arith.muli %arg1, %mul3A : i32
    %add3A = arith.addi %mul3A_0, %arg0 : i32
    "tpu.region"() ({
      %run_scoped3A = tpu.sem_alloc : memref<!tpu.dma_semaphore, #tpu.memory_space<semaphore_mem>>
      %dma_start3A = arith.constant 0 : i32
      %dma_start3A_488 = arith.constant 0 : i32
      %dma_start3A_489 = tpu.memref_slice %arg2[%add3A, %dma_start3A, %dma_start3A_488] : memref<32x8x1664xi32, #tpu.memory_space<hbm>> -> memref<1x8x1664xi32, #tpu.memory_space<hbm>>
      %dma_start3A_490 = tpu.memref_squeeze %dma_start3A_489 : memref<1x8x1664xi32, #tpu.memory_space<hbm>> -> memref<8x1664xi32, #tpu.memory_space<hbm>>
      %dma_start3A_491 = arith.constant 0 : i32
      %dma_start3A_492 = arith.constant 0 : i32
      %dma_start3A_493 = tpu.memref_slice %arg2[%add3A, %dma_start3A_491, %dma_start3A_492] : memref<32x8x1664xi32, #tpu.memory_space<hbm>> -> memref<1x8x1664xi32, #tpu.memory_space<hbm>>
      %dma_start3A_494 = tpu.memref_squeeze %dma_start3A_493 : memref<1x8x1664xi32, #tpu.memory_space<hbm>> -> memref<8x1664xi32, #tpu.memory_space<hbm>>
      tpu.enqueue_dma source(%dma_start3A_494 : memref<8x1664xi32, #tpu.memory_space<hbm>>) target(%arg9 : memref<8x1664xi32, #tpu.memory_space<vmem>>) target_semaphore(%run_scoped3A : memref<!tpu.dma_semaphore, #tpu.memory_space<semaphore_mem>>)
      %dma_wait3A = arith.constant 0 : i32
      %dma_wait3A_495 = arith.constant 0 : i32
      %dma_wait3A_496 = tpu.memref_slice %arg2[%add3A, %dma_wait3A, %dma_wait3A_495] : memref<32x8x1664xi32, #tpu.memory_space<hbm>> -> memref<1x8x1664xi32, #tpu.memory_space<hbm>>
      %dma_wait3A_497 = tpu.memref_squeeze %dma_wait3A_496 : memref<1x8x1664xi32, #tpu.memory_space<hbm>> -> memref<8x1664xi32, #tpu.memory_space<hbm>>
      %dma_wait3A_498 = arith.constant 0 : i32
      %dma_wait3A_499 = arith.constant 0 : i32
      %dma_wait3A_500 = tpu.memref_slice %arg2[%add3A, %dma_wait3A_498, %dma_wait3A_499] : memref<32x8x1664xi32, #tpu.memory_space<hbm>> -> memref<1x8x1664xi32, #tpu.memory_space<hbm>>
      %dma_wait3A_501 = tpu.memref_squeeze %dma_wait3A_500 : memref<1x8x1664xi32, #tpu.memory_space<hbm>> -> memref<8x1664xi32, #tpu.memory_space<hbm>>
      tpu.wait_dma2 semaphore(%run_scoped3A : memref<!tpu.dma_semaphore, #tpu.memory_space<semaphore_mem>>) src(%dma_wait3A_501 : memref<8x1664xi32, #tpu.memory_space<hbm>>) dst(%arg9 : memref<8x1664xi32, #tpu.memory_space<vmem>>)
      tpu.yield
    }) : () -> ()
    "tpu.region"() ({
      %run_scoped3A = tpu.sem_alloc : memref<!tpu.dma_semaphore, #tpu.memory_space<semaphore_mem>>
      tpu.enqueue_dma source(%arg5 : memref<16xf32, #tpu.memory_space<hbm>>) target(%arg13 : memref<16xf32, #tpu.memory_space<vmem>>) target_semaphore(%run_scoped3A : memref<!tpu.dma_semaphore, #tpu.memory_space<semaphore_mem>>)
      tpu.wait_dma2 semaphore(%run_scoped3A : memref<!tpu.dma_semaphore, #tpu.memory_space<semaphore_mem>>) src(%arg5 : memref<16xf32, #tpu.memory_space<hbm>>) dst(%arg13 : memref<16xf32, #tpu.memory_space<vmem>>)
      tpu.yield
    }) : () -> ()
    "tpu.region"() ({
      %run_scoped3A = tpu.sem_alloc : memref<!tpu.dma_semaphore, #tpu.memory_space<semaphore_mem>>
      tpu.enqueue_dma source(%arg6 : memref<16xi32, #tpu.memory_space<hbm>>) target(%arg14 : memref<16xi32, #tpu.memory_space<vmem>>) target_semaphore(%run_scoped3A : memref<!tpu.dma_semaphore, #tpu.memory_space<semaphore_mem>>)
      tpu.wait_dma2 semaphore(%run_scoped3A : memref<!tpu.dma_semaphore, #tpu.memory_space<semaphore_mem>>) src(%arg6 : memref<16xi32, #tpu.memory_space<hbm>>) dst(%arg14 : memref<16xi32, #tpu.memory_space<vmem>>)
      tpu.yield
    }) : () -> ()
    "tpu.region"() ({
      %run_scoped3A = tpu.sem_alloc : memref<!tpu.dma_semaphore, #tpu.memory_space<semaphore_mem>>
      tpu.enqueue_dma source(%arg7 : memref<16xf32, #tpu.memory_space<hbm>>) target(%arg15 : memref<16xf32, #tpu.memory_space<vmem>>) target_semaphore(%run_scoped3A : memref<!tpu.dma_semaphore, #tpu.memory_space<semaphore_mem>>)
      tpu.wait_dma2 semaphore(%run_scoped3A : memref<!tpu.dma_semaphore, #tpu.memory_space<semaphore_mem>>) src(%arg7 : memref<16xf32, #tpu.memory_space<hbm>>) dst(%arg15 : memref<16xf32, #tpu.memory_space<vmem>>)
      tpu.yield
    }) : () -> ()
    %broadcast_in_dim3A = arith.constant 0.000000e+00 : f32
    %broadcast_in_dim3A_1 = vector.broadcast %broadcast_in_dim3A : f32 to vector<16xf32>
    %swap3A = arith.constant 1664 : index
    %swap3A_2 = tpu.vector_load %arg11[%swap3A] {strides = array<i32>} : memref<1680xf32, #tpu.memory_space<vmem>>, vector<16xf32>,
    tpu.vector_store %arg11[%swap3A], %broadcast_in_dim3A_1 {strides = array<i32>} : memref<1680xf32, #tpu.memory_space<vmem>>, vector<16xf32>,
    %scan3A = arith.constant 0 : i32
    %scan3A_3 = arith.constant 0 : i32
    %scan3A_4 = arith.constant 8 : i32
    %scan3A_5 = arith.addi %scan3A_3, %scan3A_4 : i32
    %scan3A_6 = arith.constant 1 : i32
    scf.for %scan3A_488 = %scan3A_3 to %scan3A_5 step %scan3A_6  : i32 {
      %dma_start3A = arith.constant 0 : i32
      %dma_start3A_489 = tpu.memref_slice %arg9[%scan3A_488, %dma_start3A] : memref<8x1664xi32, #tpu.memory_space<vmem>> -> memref<1x1664xi32, #tpu.memory_space<vmem>>
      %dma_start3A_490 = tpu.memref_squeeze %dma_start3A_489 : memref<1x1664xi32, #tpu.memory_space<vmem>> -> memref<1664xi32, #tpu.memory_space<vmem>>
      %dma_start3A_491 = arith.constant 0 : i32
      %dma_start3A_492 = arith.constant 0 : i32
      %dma_start3A_493 = tpu.memref_slice %arg4[%dma_start3A_491, %dma_start3A_492] : memref<2600000x16xf32, #tpu.memory_space<hbm>> -> memref<2600000x16xf32, #tpu.memory_space<hbm>>
      tpu.enqueue_indirect_dma source(%dma_start3A_493 : memref<2600000x16xf32, #tpu.memory_space<hbm>>) target(%arg10 : memref<1664x16xf32, #tpu.memory_space<vmem>>) offsets(%dma_start3A_490 : memref<1664xi32, #tpu.memory_space<vmem>>) semaphore(%arg16 : memref<!tpu.dma_semaphore, #tpu.memory_space<semaphore_mem>>)
      %dma_start3A_494 = arith.constant 0 : i32
      %dma_start3A_495 = tpu.memref_slice %arg11[%dma_start3A_494] : memref<1680xf32, #tpu.memory_space<vmem>> -> memref<1664xf32, #tpu.memory_space<vmem>>
      %dma_start3A_496 = arith.constant 0 : i32
      %dma_start3A_497 = tpu.memref_slice %arg9[%scan3A_488, %dma_start3A_496] : memref<8x1664xi32, #tpu.memory_space<vmem>> -> memref<1x1664xi32, #tpu.memory_space<vmem>>
      %dma_start3A_498 = tpu.memref_squeeze %dma_start3A_497 : memref<1x1664xi32, #tpu.memory_space<vmem>> -> memref<1664xi32, #tpu.memory_space<vmem>>
      %dma_start3A_499 = arith.constant 0 : i32
      %dma_start3A_500 = tpu.memref_slice %arg3[%dma_start3A_499] : memref<2600000xf32, #tpu.memory_space<hbm>> -> memref<2600000xf32, #tpu.memory_space<hbm>>
      tpu.enqueue_indirect_dma source(%dma_start3A_500 : memref<2600000xf32, #tpu.memory_space<hbm>>) target(%dma_start3A_495 : memref<1664xf32, #tpu.memory_space<vmem>>) offsets(%dma_start3A_498 : memref<1664xi32, #tpu.memory_space<vmem>>) semaphore(%arg17 : memref<!tpu.dma_semaphore, #tpu.memory_space<semaphore_mem>>)
      %dma_wait3A = arith.constant 0 : i32
      %dma_wait3A_501 = tpu.memref_slice %arg9[%scan3A_488, %dma_wait3A] : memref<8x1664xi32, #tpu.memory_space<vmem>> -> memref<1x1664xi32, #tpu.memory_space<vmem>>
      %dma_wait3A_502 = tpu.memref_squeeze %dma_wait3A_501 : memref<1x1664xi32, #tpu.memory_space<vmem>> -> memref<1664xi32, #tpu.memory_space<vmem>>
      %dma_wait3A_503 = arith.constant 0 : i32
      %dma_wait3A_504 = arith.constant 0 : i32
      %dma_wait3A_505 = tpu.memref_slice %arg4[%dma_wait3A_503, %dma_wait3A_504] : memref<2600000x16xf32, #tpu.memory_space<hbm>> -> memref<2600000x16xf32, #tpu.memory_space<hbm>>
      tpu.wait_indirect_dma semaphore(%arg16 : memref<!tpu.dma_semaphore, #tpu.memory_space<semaphore_mem>>) src(%dma_wait3A_505 : memref<2600000x16xf32, #tpu.memory_space<hbm>>) dst(%arg10 : memref<1664x16xf32, #tpu.memory_space<vmem>>)
      %dma_wait3A_506 = arith.constant 0 : i32
      %dma_wait3A_507 = tpu.memref_slice %arg11[%dma_wait3A_506] : memref<1680xf32, #tpu.memory_space<vmem>> -> memref<1664xf32, #tpu.memory_space<vmem>>
      %dma_wait3A_508 = arith.constant 0 : i32
      %dma_wait3A_509 = tpu.memref_slice %arg9[%scan3A_488, %dma_wait3A_508] : memref<8x1664xi32, #tpu.memory_space<vmem>> -> memref<1x1664xi32, #tpu.memory_space<vmem>>
      %dma_wait3A_510 = tpu.memref_squeeze %dma_wait3A_509 : memref<1x1664xi32, #tpu.memory_space<vmem>> -> memref<1664xi32, #tpu.memory_space<vmem>>
      %dma_wait3A_511 = arith.constant 0 : i32
      %dma_wait3A_512 = tpu.memref_slice %arg3[%dma_wait3A_511] : memref<2600000xf32, #tpu.memory_space<hbm>> -> memref<2600000xf32, #tpu.memory_space<hbm>>
      tpu.wait_indirect_dma semaphore(%arg17 : memref<!tpu.dma_semaphore, #tpu.memory_space<semaphore_mem>>) src(%dma_wait3A_512 : memref<2600000xf32, #tpu.memory_space<hbm>>) dst(%dma_wait3A_507 : memref<1664xf32, #tpu.memory_space<vmem>>)
      %scan3A_513 = arith.constant 0 : i32
      %scan3A_514 = arith.constant 0 : i32
      %scan3A_515 = arith.constant 64 : i32
      %scan3A_516 = arith.addi %scan3A_514, %scan3A_515 : i32
      %scan3A_517 = arith.constant 1 : i32
      scf.for %scan3A_519 = %scan3A_514 to %scan3A_516 step %scan3A_517  : i32 {
        %mul3A_520 = arith.constant 26 : i32
        %mul3A_521 = arith.muli %scan3A_519, %mul3A_520 : i32
        %get3A_522 = arith.index_cast %mul3A_521 : i32 to index
        %get3A_523 = arith.constant 0 : index
        %get3A_524 = tpu.vector_load %arg10[%get3A_522, %get3A_523] {strides = array<i32>} : memref<1664x16xf32, #tpu.memory_space<vmem>>, vector<16xf32>,
        %mul3A_525 = arith.mulf %get3A_524, %get3A_524 : vector<16xf32>
        %add3A_526 = arith.constant 1 : i32
        %add3A_527 = arith.addi %mul3A_521, %add3A_526 : i32
        %get3A_528 = arith.index_cast %add3A_527 : i32 to index
        %get3A_529 = arith.constant 0 : index
        %get3A_530 = tpu.vector_load %arg10[%get3A_528, %get3A_529] {strides = array<i32>} : memref<1664x16xf32, #tpu.memory_space<vmem>>, vector<16xf32>,
        %add3A_531 = arith.addf %get3A_524, %get3A_530 : vector<16xf32>
        %mul3A_532 = arith.mulf %get3A_530, %get3A_530 : vector<16xf32>
        %add3A_533 = arith.addf %mul3A_525, %mul3A_532 : vector<16xf32>
        %add3A_534 = arith.constant 2 : i32
        %add3A_535 = arith.addi %mul3A_521, %add3A_534 : i32
        %get3A_536 = arith.index_cast %add3A_535 : i32 to index
        %get3A_537 = arith.constant 0 : index
        %get3A_538 = tpu.vector_load %arg10[%get3A_536, %get3A_537] {strides = array<i32>} : memref<1664x16xf32, #tpu.memory_space<vmem>>, vector<16xf32>,
        %add3A_539 = arith.addf %add3A_531, %get3A_538 : vector<16xf32>
        %mul3A_540 = arith.mulf %get3A_538, %get3A_538 : vector<16xf32>
        %add3A_541 = arith.addf %add3A_533, %mul3A_540 : vector<16xf32>
        %add3A_542 = arith.constant 3 : i32
        %add3A_543 = arith.addi %mul3A_521, %add3A_542 : i32
        %get3A_544 = arith.index_cast %add3A_543 : i32 to index
        %get3A_545 = arith.constant 0 : index
        %get3A_546 = tpu.vector_load %arg10[%get3A_544, %get3A_545] {strides = array<i32>} : memref<1664x16xf32, #tpu.memory_space<vmem>>, vector<16xf32>,
        %add3A_547 = arith.addf %add3A_539, %get3A_546 : vector<16xf32>
        %mul3A_548 = arith.mulf %get3A_546, %get3A_546 : vector<16xf32>
        %add3A_549 = arith.addf %add3A_541, %mul3A_548 : vector<16xf32>
        %add3A_550 = arith.constant 4 : i32
        %add3A_551 = arith.addi %mul3A_521, %add3A_550 : i32
        %get3A_552 = arith.index_cast %add3A_551 : i32 to index
        %get3A_553 = arith.constant 0 : index
        %get3A_554 = tpu.vector_load %arg10[%get3A_552, %get3A_553] {strides = array<i32>} : memref<1664x16xf32, #tpu.memory_space<vmem>>, vector<16xf32>,
        %add3A_555 = arith.addf %add3A_547, %get3A_554 : vector<16xf32>
        %mul3A_556 = arith.mulf %get3A_554, %get3A_554 : vector<16xf32>
        %add3A_557 = arith.addf %add3A_549, %mul3A_556 : vector<16xf32>
        %add3A_558 = arith.constant 5 : i32
        %add3A_559 = arith.addi %mul3A_521, %add3A_558 : i32
        %get3A_560 = arith.index_cast %add3A_559 : i32 to index
        %get3A_561 = arith.constant 0 : index
        %get3A_562 = tpu.vector_load %arg10[%get3A_560, %get3A_561] {strides = array<i32>} : memref<1664x16xf32, #tpu.memory_space<vmem>>, vector<16xf32>,
        %add3A_563 = arith.addf %add3A_555, %get3A_562 : vector<16xf32>
        %mul3A_564 = arith.mulf %get3A_562, %get3A_562 : vector<16xf32>
        %add3A_565 = arith.addf %add3A_557, %mul3A_564 : vector<16xf32>
        %add3A_566 = arith.constant 6 : i32
        %add3A_567 = arith.addi %mul3A_521, %add3A_566 : i32
        %get3A_568 = arith.index_cast %add3A_567 : i32 to index
        %get3A_569 = arith.constant 0 : index
        %get3A_570 = tpu.vector_load %arg10[%get3A_568, %get3A_569] {strides = array<i32>} : memref<1664x16xf32, #tpu.memory_space<vmem>>, vector<16xf32>,
        %add3A_571 = arith.addf %add3A_563, %get3A_570 : vector<16xf32>
        %mul3A_572 = arith.mulf %get3A_570, %get3A_570 : vector<16xf32>
        %add3A_573 = arith.addf %add3A_565, %mul3A_572 : vector<16xf32>
        %add3A_574 = arith.constant 7 : i32
        %add3A_575 = arith.addi %mul3A_521, %add3A_574 : i32
        %get3A_576 = arith.index_cast %add3A_575 : i32 to index
        %get3A_577 = arith.constant 0 : index
        %get3A_578 = tpu.vector_load %arg10[%get3A_576, %get3A_577] {strides = array<i32>} : memref<1664x16xf32, #tpu.memory_space<vmem>>, vector<16xf32>,
        %add3A_579 = arith.addf %add3A_571, %get3A_578 : vector<16xf32>
        %mul3A_580 = arith.mulf %get3A_578, %get3A_578 : vector<16xf32>
        %add3A_581 = arith.addf %add3A_573, %mul3A_580 : vector<16xf32>
        %add3A_582 = arith.constant 8 : i32
        %add3A_583 = arith.addi %mul3A_521, %add3A_582 : i32
        %get3A_584 = arith.index_cast %add3A_583 : i32 to index
        %get3A_585 = arith.constant 0 : index
        %get3A_586 = tpu.vector_load %arg10[%get3A_584, %get3A_585] {strides = array<i32>} : memref<1664x16xf32, #tpu.memory_space<vmem>>, vector<16xf32>,
        %add3A_587 = arith.addf %add3A_579, %get3A_586 : vector<16xf32>
        %mul3A_588 = arith.mulf %get3A_586, %get3A_586 : vector<16xf32>
        %add3A_589 = arith.addf %add3A_581, %mul3A_588 : vector<16xf32>
        %add3A_590 = arith.constant 9 : i32
        %add3A_591 = arith.addi %mul3A_521, %add3A_590 : i32
        %get3A_592 = arith.index_cast %add3A_591 : i32 to index
        %get3A_593 = arith.constant 0 : index
        %get3A_594 = tpu.vector_load %arg10[%get3A_592, %get3A_593] {strides = array<i32>} : memref<1664x16xf32, #tpu.memory_space<vmem>>, vector<16xf32>,
        %add3A_595 = arith.addf %add3A_587, %get3A_594 : vector<16xf32>
        %mul3A_596 = arith.mulf %get3A_594, %get3A_594 : vector<16xf32>
        %add3A_597 = arith.addf %add3A_589, %mul3A_596 : vector<16xf32>
        %add3A_598 = arith.constant 10 : i32
        %add3A_599 = arith.addi %mul3A_521, %add3A_598 : i32
        %get3A_600 = arith.index_cast %add3A_599 : i32 to index
        %get3A_601 = arith.constant 0 : index
        %get3A_602 = tpu.vector_load %arg10[%get3A_600, %get3A_601] {strides = array<i32>} : memref<1664x16xf32, #tpu.memory_space<vmem>>, vector<16xf32>,
        %add3A_603 = arith.addf %add3A_595, %get3A_602 : vector<16xf32>
        %mul3A_604 = arith.mulf %get3A_602, %get3A_602 : vector<16xf32>
        %add3A_605 = arith.addf %add3A_597, %mul3A_604 : vector<16xf32>
        %add3A_606 = arith.constant 11 : i32
        %add3A_607 = arith.addi %mul3A_521, %add3A_606 : i32
        %get3A_608 = arith.index_cast %add3A_607 : i32 to index
        %get3A_609 = arith.constant 0 : index
        %get3A_610 = tpu.vector_load %arg10[%get3A_608, %get3A_609] {strides = array<i32>} : memref<1664x16xf32, #tpu.memory_space<vmem>>, vector<16xf32>,
        %add3A_611 = arith.addf %add3A_603, %get3A_610 : vector<16xf32>
        %mul3A_612 = arith.mulf %get3A_610, %get3A_610 : vector<16xf32>
        %add3A_613 = arith.addf %add3A_605, %mul3A_612 : vector<16xf32>
        %add3A_614 = arith.constant 12 : i32
        %add3A_615 = arith.addi %mul3A_521, %add3A_614 : i32
        %get3A_616 = arith.index_cast %add3A_615 : i32 to index
        %get3A_617 = arith.constant 0 : index
        %get3A_618 = tpu.vector_load %arg10[%get3A_616, %get3A_617] {strides = array<i32>} : memref<1664x16xf32, #tpu.memory_space<vmem>>, vector<16xf32>,
        %add3A_619 = arith.addf %add3A_611, %get3A_618 : vector<16xf32>
        %mul3A_620 = arith.mulf %get3A_618, %get3A_618 : vector<16xf32>
        %add3A_621 = arith.addf %add3A_613, %mul3A_620 : vector<16xf32>
        %add3A_622 = arith.constant 13 : i32
        %add3A_623 = arith.addi %mul3A_521, %add3A_622 : i32
        %get3A_624 = arith.index_cast %add3A_623 : i32 to index
        %get3A_625 = arith.constant 0 : index
        %get3A_626 = tpu.vector_load %arg10[%get3A_624, %get3A_625] {strides = array<i32>} : memref<1664x16xf32, #tpu.memory_space<vmem>>, vector<16xf32>,
        %add3A_627 = arith.addf %add3A_619, %get3A_626 : vector<16xf32>
        %mul3A_628 = arith.mulf %get3A_626, %get3A_626 : vector<16xf32>
        %add3A_629 = arith.addf %add3A_621, %mul3A_628 : vector<16xf32>
        %add3A_630 = arith.constant 14 : i32
        %add3A_631 = arith.addi %mul3A_521, %add3A_630 : i32
        %get3A_632 = arith.index_cast %add3A_631 : i32 to index
        %get3A_633 = arith.constant 0 : index
        %get3A_634 = tpu.vector_load %arg10[%get3A_632, %get3A_633] {strides = array<i32>} : memref<1664x16xf32, #tpu.memory_space<vmem>>, vector<16xf32>,
        %add3A_635 = arith.addf %add3A_627, %get3A_634 : vector<16xf32>
        %mul3A_636 = arith.mulf %get3A_634, %get3A_634 : vector<16xf32>
        %add3A_637 = arith.addf %add3A_629, %mul3A_636 : vector<16xf32>
        %add3A_638 = arith.constant 15 : i32
        %add3A_639 = arith.addi %mul3A_521, %add3A_638 : i32
        %get3A_640 = arith.index_cast %add3A_639 : i32 to index
        %get3A_641 = arith.constant 0 : index
        %get3A_642 = tpu.vector_load %arg10[%get3A_640, %get3A_641] {strides = array<i32>} : memref<1664x16xf32, #tpu.memory_space<vmem>>, vector<16xf32>,
        %add3A_643 = arith.addf %add3A_635, %get3A_642 : vector<16xf32>
        %mul3A_644 = arith.mulf %get3A_642, %get3A_642 : vector<16xf32>
        %add3A_645 = arith.addf %add3A_637, %mul3A_644 : vector<16xf32>
        %add3A_646 = arith.constant 16 : i32
        %add3A_647 = arith.addi %mul3A_521, %add3A_646 : i32
        %get3A_648 = arith.index_cast %add3A_647 : i32 to index
        %get3A_649 = arith.constant 0 : index
        %get3A_650 = tpu.vector_load %arg10[%get3A_648, %get3A_649] {strides = array<i32>} : memref<1664x16xf32, #tpu.memory_space<vmem>>, vector<16xf32>,
        %add3A_651 = arith.addf %add3A_643, %get3A_650 : vector<16xf32>
        %mul3A_652 = arith.mulf %get3A_650, %get3A_650 : vector<16xf32>
        %add3A_653 = arith.addf %add3A_645, %mul3A_652 : vector<16xf32>
        %add3A_654 = arith.constant 17 : i32
        %add3A_655 = arith.addi %mul3A_521, %add3A_654 : i32
        %get3A_656 = arith.index_cast %add3A_655 : i32 to index
        %get3A_657 = arith.constant 0 : index
        %get3A_658 = tpu.vector_load %arg10[%get3A_656, %get3A_657] {strides = array<i32>} : memref<1664x16xf32, #tpu.memory_space<vmem>>, vector<16xf32>,
        %add3A_659 = arith.addf %add3A_651, %get3A_658 : vector<16xf32>
        %mul3A_660 = arith.mulf %get3A_658, %get3A_658 : vector<16xf32>
        %add3A_661 = arith.addf %add3A_653, %mul3A_660 : vector<16xf32>
        %add3A_662 = arith.constant 18 : i32
        %add3A_663 = arith.addi %mul3A_521, %add3A_662 : i32
        %get3A_664 = arith.index_cast %add3A_663 : i32 to index
        %get3A_665 = arith.constant 0 : index
        %get3A_666 = tpu.vector_load %arg10[%get3A_664, %get3A_665] {strides = array<i32>} : memref<1664x16xf32, #tpu.memory_space<vmem>>, vector<16xf32>,
        %add3A_667 = arith.addf %add3A_659, %get3A_666 : vector<16xf32>
        %mul3A_668 = arith.mulf %get3A_666, %get3A_666 : vector<16xf32>
        %add3A_669 = arith.addf %add3A_661, %mul3A_668 : vector<16xf32>
        %add3A_670 = arith.constant 19 : i32
        %add3A_671 = arith.addi %mul3A_521, %add3A_670 : i32
        %get3A_672 = arith.index_cast %add3A_671 : i32 to index
        %get3A_673 = arith.constant 0 : index
        %get3A_674 = tpu.vector_load %arg10[%get3A_672, %get3A_673] {strides = array<i32>} : memref<1664x16xf32, #tpu.memory_space<vmem>>, vector<16xf32>,
        %add3A_675 = arith.addf %add3A_667, %get3A_674 : vector<16xf32>
        %mul3A_676 = arith.mulf %get3A_674, %get3A_674 : vector<16xf32>
        %add3A_677 = arith.addf %add3A_669, %mul3A_676 : vector<16xf32>
        %add3A_678 = arith.constant 20 : i32
        %add3A_679 = arith.addi %mul3A_521, %add3A_678 : i32
        %get3A_680 = arith.index_cast %add3A_679 : i32 to index
        %get3A_681 = arith.constant 0 : index
        %get3A_682 = tpu.vector_load %arg10[%get3A_680, %get3A_681] {strides = array<i32>} : memref<1664x16xf32, #tpu.memory_space<vmem>>, vector<16xf32>,
        %add3A_683 = arith.addf %add3A_675, %get3A_682 : vector<16xf32>
        %mul3A_684 = arith.mulf %get3A_682, %get3A_682 : vector<16xf32>
        %add3A_685 = arith.addf %add3A_677, %mul3A_684 : vector<16xf32>
        %add3A_686 = arith.constant 21 : i32
        %add3A_687 = arith.addi %mul3A_521, %add3A_686 : i32
        %get3A_688 = arith.index_cast %add3A_687 : i32 to index
        %get3A_689 = arith.constant 0 : index
        %get3A_690 = tpu.vector_load %arg10[%get3A_688, %get3A_689] {strides = array<i32>} : memref<1664x16xf32, #tpu.memory_space<vmem>>, vector<16xf32>,
        %add3A_691 = arith.addf %add3A_683, %get3A_690 : vector<16xf32>
        %mul3A_692 = arith.mulf %get3A_690, %get3A_690 : vector<16xf32>
        %add3A_693 = arith.addf %add3A_685, %mul3A_692 : vector<16xf32>
        %add3A_694 = arith.constant 22 : i32
        %add3A_695 = arith.addi %mul3A_521, %add3A_694 : i32
        %get3A_696 = arith.index_cast %add3A_695 : i32 to index
        %get3A_697 = arith.constant 0 : index
        %get3A_698 = tpu.vector_load %arg10[%get3A_696, %get3A_697] {strides = array<i32>} : memref<1664x16xf32, #tpu.memory_space<vmem>>, vector<16xf32>,
        %add3A_699 = arith.addf %add3A_691, %get3A_698 : vector<16xf32>
        %mul3A_700 = arith.mulf %get3A_698, %get3A_698 : vector<16xf32>
        %add3A_701 = arith.addf %add3A_693, %mul3A_700 : vector<16xf32>
        %add3A_702 = arith.constant 23 : i32
        %add3A_703 = arith.addi %mul3A_521, %add3A_702 : i32
        %get3A_704 = arith.index_cast %add3A_703 : i32 to index
        %get3A_705 = arith.constant 0 : index
        %get3A_706 = tpu.vector_load %arg10[%get3A_704, %get3A_705] {strides = array<i32>} : memref<1664x16xf32, #tpu.memory_space<vmem>>, vector<16xf32>,
        %add3A_707 = arith.addf %add3A_699, %get3A_706 : vector<16xf32>
        %mul3A_708 = arith.mulf %get3A_706, %get3A_706 : vector<16xf32>
        %add3A_709 = arith.addf %add3A_701, %mul3A_708 : vector<16xf32>
        %add3A_710 = arith.constant 24 : i32
        %add3A_711 = arith.addi %mul3A_521, %add3A_710 : i32
        %get3A_712 = arith.index_cast %add3A_711 : i32 to index
        %get3A_713 = arith.constant 0 : index
        %get3A_714 = tpu.vector_load %arg10[%get3A_712, %get3A_713] {strides = array<i32>} : memref<1664x16xf32, #tpu.memory_space<vmem>>, vector<16xf32>,
        %add3A_715 = arith.addf %add3A_707, %get3A_714 : vector<16xf32>
        %mul3A_716 = arith.mulf %get3A_714, %get3A_714 : vector<16xf32>
        %add3A_717 = arith.addf %add3A_709, %mul3A_716 : vector<16xf32>
        %add3A_718 = arith.constant 25 : i32
        %add3A_719 = arith.addi %mul3A_521, %add3A_718 : i32
        %get3A_720 = arith.index_cast %add3A_719 : i32 to index
        %get3A_721 = arith.constant 0 : index
        %get3A_722 = tpu.vector_load %arg10[%get3A_720, %get3A_721] {strides = array<i32>} : memref<1664x16xf32, #tpu.memory_space<vmem>>, vector<16xf32>,
        %add3A_723 = arith.addf %add3A_715, %get3A_722 : vector<16xf32>
        %mul3A_724 = arith.mulf %get3A_722, %get3A_722 : vector<16xf32>
        %add3A_725 = arith.addf %add3A_717, %mul3A_724 : vector<16xf32>
        %get3A_726 = arith.index_cast %mul3A_521 : i32 to index
        %get3A_727 = tpu.vector_load %arg11[%get3A_726] {strides = array<i32>} : memref<1680xf32, #tpu.memory_space<vmem>>, vector<16xf32>,
        %add3A_728 = arith.constant 16 : i32
        %add3A_729 = arith.addi %mul3A_521, %add3A_728 : i32
        %get3A_730 = arith.index_cast %add3A_729 : i32 to index
        %get3A_731 = tpu.vector_load %arg11[%get3A_730] {strides = array<i32>} : memref<1680xf32, #tpu.memory_space<vmem>>, vector<16xf32>,
        %mul3A_732 = arith.mulf %add3A_723, %add3A_723 : vector<16xf32>
        %sub3A = arith.subf %mul3A_732, %add3A_725 : vector<16xf32>
        %mul3A_733 = arith.constant 5.000000e-01 : f32
        %mul3A_734 = vector.broadcast %mul3A_733 : f32 to vector<16xf32>
        %mul3A_735 = arith.mulf %sub3A, %mul3A_734 : vector<16xf32>
        %add3A_736 = arith.addf %mul3A_735, %get3A_727 : vector<16xf32>
        %get3A_737 = arith.constant 0 : index
        %get3A_738 = tpu.vector_load %arg15[%get3A_737] {strides = array<i32>} : memref<16xf32, #tpu.memory_space<vmem>>, vector<16xf32>,
        %mul3A_739 = arith.mulf %get3A_731, %get3A_738 : vector<16xf32>
        %add3A_740 = arith.addf %add3A_736, %mul3A_739 : vector<16xf32>
        %broadcast_in_dim3A_741 = arith.constant true
        %broadcast_in_dim3A_742 = vector.broadcast %broadcast_in_dim3A_741 : i1 to vector<16xi1>
        %masked_cumsum3A = tpu.scan <sum>, %add3A_740 masked %broadcast_in_dim3A_742 : vector<16xf32>, vector<16xi1> -> vector<16xf32>
        %get3A_743 = arith.constant 0 : index
        %get3A_744 = tpu.vector_load %arg14[%get3A_743] {strides = array<i32>} : memref<16xi32, #tpu.memory_space<vmem>>, vector<16xi32>,
        %broadcast_in_dim3A_745 = arith.constant 15 : i32
        %broadcast_in_dim3A_746 = vector.broadcast %broadcast_in_dim3A_745 : i32 to vector<16xi32>
        %eq3A = arith.cmpi eq, %get3A_744, %broadcast_in_dim3A_746 : vector<16xi32>
        %mul3A_747 = arith.constant 64 : i32
        %mul3A_748 = arith.muli %scan3A_488, %mul3A_747 : i32
        %add3A_749 = arith.addi %mul3A_748, %scan3A_519 : i32
        %swap3A_750 = arith.index_cast %add3A_749 : i32 to index
        %swap3A_751 = tpu.vector_load %arg12[%swap3A_750] masked %eq3A {strides = array<i32>} : memref<528xf32, #tpu.memory_space<vmem>>, vector<16xf32>, vector<16xi1>
        tpu.vector_store %arg12[%swap3A_750], %masked_cumsum3A masked %eq3A {strides = array<i32>} : memref<528xf32, #tpu.memory_space<vmem>>, vector<16xf32>, vector<16xi1>
      }
      %scan3A_518 = arith.constant 64 : i32
    }
    %scan3A_7 = arith.constant 8 : i32
    %get3A = arith.constant 0 : index
    %get3A_8 = tpu.vector_load %arg13[%get3A] {strides = array<i32>} : memref<16xf32, #tpu.memory_space<vmem>>, vector<16xf32>,
    %get3A_9 = arith.constant 0 : index
    %get3A_10 = tpu.vector_load %arg12[%get3A_9] {strides = array<i32>} : memref<528xf32, #tpu.memory_space<vmem>>, vector<16xf32>,
    %add3A_11 = arith.addf %get3A_10, %get3A_8 : vector<16xf32>
    %neg3A = arith.constant 0.000000e+00 : f32
    %neg3A_12 = vector.broadcast %neg3A : f32 to vector<16xf32>
    %neg3A_13 = arith.subf %neg3A_12, %add3A_11 : vector<16xf32>
    %exp3A = math.exp %neg3A_13 : vector<16xf32>
    %add3A_14 = arith.constant 1.000000e+00 : f32
    %add3A_15 = vector.broadcast %add3A_14 : f32 to vector<16xf32>
    %add3A_16 = arith.addf %add3A_15, %exp3A : vector<16xf32>
    %div3A = arith.constant 1.000000e+00 : f32
    %div3A_17 = vector.broadcast %div3A : f32 to vector<16xf32>
    %div3A_18 = arith.divf %div3A_17, %add3A_16 : vector<16xf32>
    %swap3A_19 = arith.constant 0 : index
    %swap3A_20 = tpu.vector_load %arg12[%swap3A_19] {strides = array<i32>} : memref<528xf32, #tpu.memory_space<vmem>>, vector<16xf32>,
    tpu.vector_store %arg12[%swap3A_19], %div3A_18 {strides = array<i32>} : memref<528xf32, #tpu.memory_space<vmem>>, vector<16xf32>,
    %get3A_21 = arith.constant 16 : index
    %get3A_22 = tpu.vector_load %arg12[%get3A_21] {strides = array<i32>} : memref<528xf32, #tpu.memory_space<vmem>>, vector<16xf32>,
    %add3A_23 = arith.addf %get3A_22, %get3A_8 : vector<16xf32>
    %neg3A_24 = arith.constant 0.000000e+00 : f32
    %neg3A_25 = vector.broadcast %neg3A_24 : f32 to vector<16xf32>
    %neg3A_26 = arith.subf %neg3A_25, %add3A_23 : vector<16xf32>
    %exp3A_27 = math.exp %neg3A_26 : vector<16xf32>
    %add3A_28 = arith.constant 1.000000e+00 : f32
    %add3A_29 = vector.broadcast %add3A_28 : f32 to vector<16xf32>
    %add3A_30 = arith.addf %add3A_29, %exp3A_27 : vector<16xf32>
    %div3A_31 = arith.constant 1.000000e+00 : f32
    %div3A_32 = vector.broadcast %div3A_31 : f32 to vector<16xf32>
    %div3A_33 = arith.divf %div3A_32, %add3A_30 : vector<16xf32>
    %swap3A_34 = arith.constant 16 : index
    %swap3A_35 = tpu.vector_load %arg12[%swap3A_34] {strides = array<i32>} : memref<528xf32, #tpu.memory_space<vmem>>, vector<16xf32>,
    tpu.vector_store %arg12[%swap3A_34], %div3A_33 {strides = array<i32>} : memref<528xf32, #tpu.memory_space<vmem>>, vector<16xf32>,
    %get3A_36 = arith.constant 32 : index
    %get3A_37 = tpu.vector_load %arg12[%get3A_36] {strides = array<i32>} : memref<528xf32, #tpu.memory_space<vmem>>, vector<16xf32>,
    %add3A_38 = arith.addf %get3A_37, %get3A_8 : vector<16xf32>
    %neg3A_39 = arith.constant 0.000000e+00 : f32
    %neg3A_40 = vector.broadcast %neg3A_39 : f32 to vector<16xf32>
    %neg3A_41 = arith.subf %neg3A_40, %add3A_38 : vector<16xf32>
    %exp3A_42 = math.exp %neg3A_41 : vector<16xf32>
    %add3A_43 = arith.constant 1.000000e+00 : f32
    %add3A_44 = vector.broadcast %add3A_43 : f32 to vector<16xf32>
    %add3A_45 = arith.addf %add3A_44, %exp3A_42 : vector<16xf32>
    %div3A_46 = arith.constant 1.000000e+00 : f32
    %div3A_47 = vector.broadcast %div3A_46 : f32 to vector<16xf32>
    %div3A_48 = arith.divf %div3A_47, %add3A_45 : vector<16xf32>
    %swap3A_49 = arith.constant 32 : index
    %swap3A_50 = tpu.vector_load %arg12[%swap3A_49] {strides = array<i32>} : memref<528xf32, #tpu.memory_space<vmem>>, vector<16xf32>,
    tpu.vector_store %arg12[%swap3A_49], %div3A_48 {strides = array<i32>} : memref<528xf32, #tpu.memory_space<vmem>>, vector<16xf32>,
    %get3A_51 = arith.constant 48 : index
    %get3A_52 = tpu.vector_load %arg12[%get3A_51] {strides = array<i32>} : memref<528xf32, #tpu.memory_space<vmem>>, vector<16xf32>,
    %add3A_53 = arith.addf %get3A_52, %get3A_8 : vector<16xf32>
    %neg3A_54 = arith.constant 0.000000e+00 : f32
    %neg3A_55 = vector.broadcast %neg3A_54 : f32 to vector<16xf32>
    %neg3A_56 = arith.subf %neg3A_55, %add3A_53 : vector<16xf32>
    %exp3A_57 = math.exp %neg3A_56 : vector<16xf32>
    %add3A_58 = arith.constant 1.000000e+00 : f32
    %add3A_59 = vector.broadcast %add3A_58 : f32 to vector<16xf32>
    %add3A_60 = arith.addf %add3A_59, %exp3A_57 : vector<16xf32>
    %div3A_61 = arith.constant 1.000000e+00 : f32
    %div3A_62 = vector.broadcast %div3A_61 : f32 to vector<16xf32>
    %div3A_63 = arith.divf %div3A_62, %add3A_60 : vector<16xf32>
    %swap3A_64 = arith.constant 48 : index
    %swap3A_65 = tpu.vector_load %arg12[%swap3A_64] {strides = array<i32>} : memref<528xf32, #tpu.memory_space<vmem>>, vector<16xf32>,
    tpu.vector_store %arg12[%swap3A_64], %div3A_63 {strides = array<i32>} : memref<528xf32, #tpu.memory_space<vmem>>, vector<16xf32>,
    %get3A_66 = arith.constant 64 : index
    %get3A_67 = tpu.vector_load %arg12[%get3A_66] {strides = array<i32>} : memref<528xf32, #tpu.memory_space<vmem>>, vector<16xf32>,
    %add3A_68 = arith.addf %get3A_67, %get3A_8 : vector<16xf32>
    %neg3A_69 = arith.constant 0.000000e+00 : f32
    %neg3A_70 = vector.broadcast %neg3A_69 : f32 to vector<16xf32>
    %neg3A_71 = arith.subf %neg3A_70, %add3A_68 : vector<16xf32>
    %exp3A_72 = math.exp %neg3A_71 : vector<16xf32>
    %add3A_73 = arith.constant 1.000000e+00 : f32
    %add3A_74 = vector.broadcast %add3A_73 : f32 to vector<16xf32>
    %add3A_75 = arith.addf %add3A_74, %exp3A_72 : vector<16xf32>
    %div3A_76 = arith.constant 1.000000e+00 : f32
    %div3A_77 = vector.broadcast %div3A_76 : f32 to vector<16xf32>
    %div3A_78 = arith.divf %div3A_77, %add3A_75 : vector<16xf32>
    %swap3A_79 = arith.constant 64 : index
    %swap3A_80 = tpu.vector_load %arg12[%swap3A_79] {strides = array<i32>} : memref<528xf32, #tpu.memory_space<vmem>>, vector<16xf32>,
    tpu.vector_store %arg12[%swap3A_79], %div3A_78 {strides = array<i32>} : memref<528xf32, #tpu.memory_space<vmem>>, vector<16xf32>,
    %get3A_81 = arith.constant 80 : index
    %get3A_82 = tpu.vector_load %arg12[%get3A_81] {strides = array<i32>} : memref<528xf32, #tpu.memory_space<vmem>>, vector<16xf32>,
    %add3A_83 = arith.addf %get3A_82, %get3A_8 : vector<16xf32>
    %neg3A_84 = arith.constant 0.000000e+00 : f32
    %neg3A_85 = vector.broadcast %neg3A_84 : f32 to vector<16xf32>
    %neg3A_86 = arith.subf %neg3A_85, %add3A_83 : vector<16xf32>
    %exp3A_87 = math.exp %neg3A_86 : vector<16xf32>
    %add3A_88 = arith.constant 1.000000e+00 : f32
    %add3A_89 = vector.broadcast %add3A_88 : f32 to vector<16xf32>
    %add3A_90 = arith.addf %add3A_89, %exp3A_87 : vector<16xf32>
    %div3A_91 = arith.constant 1.000000e+00 : f32
    %div3A_92 = vector.broadcast %div3A_91 : f32 to vector<16xf32>
    %div3A_93 = arith.divf %div3A_92, %add3A_90 : vector<16xf32>
    %swap3A_94 = arith.constant 80 : index
    %swap3A_95 = tpu.vector_load %arg12[%swap3A_94] {strides = array<i32>} : memref<528xf32, #tpu.memory_space<vmem>>, vector<16xf32>,
    tpu.vector_store %arg12[%swap3A_94], %div3A_93 {strides = array<i32>} : memref<528xf32, #tpu.memory_space<vmem>>, vector<16xf32>,
    %get3A_96 = arith.constant 96 : index
    %get3A_97 = tpu.vector_load %arg12[%get3A_96] {strides = array<i32>} : memref<528xf32, #tpu.memory_space<vmem>>, vector<16xf32>,
    %add3A_98 = arith.addf %get3A_97, %get3A_8 : vector<16xf32>
    %neg3A_99 = arith.constant 0.000000e+00 : f32
    %neg3A_100 = vector.broadcast %neg3A_99 : f32 to vector<16xf32>
    %neg3A_101 = arith.subf %neg3A_100, %add3A_98 : vector<16xf32>
    %exp3A_102 = math.exp %neg3A_101 : vector<16xf32>
    %add3A_103 = arith.constant 1.000000e+00 : f32
    %add3A_104 = vector.broadcast %add3A_103 : f32 to vector<16xf32>
    %add3A_105 = arith.addf %add3A_104, %exp3A_102 : vector<16xf32>
    %div3A_106 = arith.constant 1.000000e+00 : f32
    %div3A_107 = vector.broadcast %div3A_106 : f32 to vector<16xf32>
    %div3A_108 = arith.divf %div3A_107, %add3A_105 : vector<16xf32>
    %swap3A_109 = arith.constant 96 : index
    %swap3A_110 = tpu.vector_load %arg12[%swap3A_109] {strides = array<i32>} : memref<528xf32, #tpu.memory_space<vmem>>, vector<16xf32>,
    tpu.vector_store %arg12[%swap3A_109], %div3A_108 {strides = array<i32>} : memref<528xf32, #tpu.memory_space<vmem>>, vector<16xf32>,
    %get3A_111 = arith.constant 112 : index
    %get3A_112 = tpu.vector_load %arg12[%get3A_111] {strides = array<i32>} : memref<528xf32, #tpu.memory_space<vmem>>, vector<16xf32>,
    %add3A_113 = arith.addf %get3A_112, %get3A_8 : vector<16xf32>
    %neg3A_114 = arith.constant 0.000000e+00 : f32
    %neg3A_115 = vector.broadcast %neg3A_114 : f32 to vector<16xf32>
    %neg3A_116 = arith.subf %neg3A_115, %add3A_113 : vector<16xf32>
    %exp3A_117 = math.exp %neg3A_116 : vector<16xf32>
    %add3A_118 = arith.constant 1.000000e+00 : f32
    %add3A_119 = vector.broadcast %add3A_118 : f32 to vector<16xf32>
    %add3A_120 = arith.addf %add3A_119, %exp3A_117 : vector<16xf32>
    %div3A_121 = arith.constant 1.000000e+00 : f32
    %div3A_122 = vector.broadcast %div3A_121 : f32 to vector<16xf32>
    %div3A_123 = arith.divf %div3A_122, %add3A_120 : vector<16xf32>
    %swap3A_124 = arith.constant 112 : index
    %swap3A_125 = tpu.vector_load %arg12[%swap3A_124] {strides = array<i32>} : memref<528xf32, #tpu.memory_space<vmem>>, vector<16xf32>,
    tpu.vector_store %arg12[%swap3A_124], %div3A_123 {strides = array<i32>} : memref<528xf32, #tpu.memory_space<vmem>>, vector<16xf32>,
    %get3A_126 = arith.constant 128 : index
    %get3A_127 = tpu.vector_load %arg12[%get3A_126] {strides = array<i32>} : memref<528xf32, #tpu.memory_space<vmem>>, vector<16xf32>,
    %add3A_128 = arith.addf %get3A_127, %get3A_8 : vector<16xf32>
    %neg3A_129 = arith.constant 0.000000e+00 : f32
    %neg3A_130 = vector.broadcast %neg3A_129 : f32 to vector<16xf32>
    %neg3A_131 = arith.subf %neg3A_130, %add3A_128 : vector<16xf32>
    %exp3A_132 = math.exp %neg3A_131 : vector<16xf32>
    %add3A_133 = arith.constant 1.000000e+00 : f32
    %add3A_134 = vector.broadcast %add3A_133 : f32 to vector<16xf32>
    %add3A_135 = arith.addf %add3A_134, %exp3A_132 : vector<16xf32>
    %div3A_136 = arith.constant 1.000000e+00 : f32
    %div3A_137 = vector.broadcast %div3A_136 : f32 to vector<16xf32>
    %div3A_138 = arith.divf %div3A_137, %add3A_135 : vector<16xf32>
    %swap3A_139 = arith.constant 128 : index
    %swap3A_140 = tpu.vector_load %arg12[%swap3A_139] {strides = array<i32>} : memref<528xf32, #tpu.memory_space<vmem>>, vector<16xf32>,
    tpu.vector_store %arg12[%swap3A_139], %div3A_138 {strides = array<i32>} : memref<528xf32, #tpu.memory_space<vmem>>, vector<16xf32>,
    %get3A_141 = arith.constant 144 : index
    %get3A_142 = tpu.vector_load %arg12[%get3A_141] {strides = array<i32>} : memref<528xf32, #tpu.memory_space<vmem>>, vector<16xf32>,
    %add3A_143 = arith.addf %get3A_142, %get3A_8 : vector<16xf32>
    %neg3A_144 = arith.constant 0.000000e+00 : f32
    %neg3A_145 = vector.broadcast %neg3A_144 : f32 to vector<16xf32>
    %neg3A_146 = arith.subf %neg3A_145, %add3A_143 : vector<16xf32>
    %exp3A_147 = math.exp %neg3A_146 : vector<16xf32>
    %add3A_148 = arith.constant 1.000000e+00 : f32
    %add3A_149 = vector.broadcast %add3A_148 : f32 to vector<16xf32>
    %add3A_150 = arith.addf %add3A_149, %exp3A_147 : vector<16xf32>
    %div3A_151 = arith.constant 1.000000e+00 : f32
    %div3A_152 = vector.broadcast %div3A_151 : f32 to vector<16xf32>
    %div3A_153 = arith.divf %div3A_152, %add3A_150 : vector<16xf32>
    %swap3A_154 = arith.constant 144 : index
    %swap3A_155 = tpu.vector_load %arg12[%swap3A_154] {strides = array<i32>} : memref<528xf32, #tpu.memory_space<vmem>>, vector<16xf32>,
    tpu.vector_store %arg12[%swap3A_154], %div3A_153 {strides = array<i32>} : memref<528xf32, #tpu.memory_space<vmem>>, vector<16xf32>,
    %get3A_156 = arith.constant 160 : index
    %get3A_157 = tpu.vector_load %arg12[%get3A_156] {strides = array<i32>} : memref<528xf32, #tpu.memory_space<vmem>>, vector<16xf32>,
    %add3A_158 = arith.addf %get3A_157, %get3A_8 : vector<16xf32>
    %neg3A_159 = arith.constant 0.000000e+00 : f32
    %neg3A_160 = vector.broadcast %neg3A_159 : f32 to vector<16xf32>
    %neg3A_161 = arith.subf %neg3A_160, %add3A_158 : vector<16xf32>
    %exp3A_162 = math.exp %neg3A_161 : vector<16xf32>
    %add3A_163 = arith.constant 1.000000e+00 : f32
    %add3A_164 = vector.broadcast %add3A_163 : f32 to vector<16xf32>
    %add3A_165 = arith.addf %add3A_164, %exp3A_162 : vector<16xf32>
    %div3A_166 = arith.constant 1.000000e+00 : f32
    %div3A_167 = vector.broadcast %div3A_166 : f32 to vector<16xf32>
    %div3A_168 = arith.divf %div3A_167, %add3A_165 : vector<16xf32>
    %swap3A_169 = arith.constant 160 : index
    %swap3A_170 = tpu.vector_load %arg12[%swap3A_169] {strides = array<i32>} : memref<528xf32, #tpu.memory_space<vmem>>, vector<16xf32>,
    tpu.vector_store %arg12[%swap3A_169], %div3A_168 {strides = array<i32>} : memref<528xf32, #tpu.memory_space<vmem>>, vector<16xf32>,
    %get3A_171 = arith.constant 176 : index
    %get3A_172 = tpu.vector_load %arg12[%get3A_171] {strides = array<i32>} : memref<528xf32, #tpu.memory_space<vmem>>, vector<16xf32>,
    %add3A_173 = arith.addf %get3A_172, %get3A_8 : vector<16xf32>
    %neg3A_174 = arith.constant 0.000000e+00 : f32
    %neg3A_175 = vector.broadcast %neg3A_174 : f32 to vector<16xf32>
    %neg3A_176 = arith.subf %neg3A_175, %add3A_173 : vector<16xf32>
    %exp3A_177 = math.exp %neg3A_176 : vector<16xf32>
    %add3A_178 = arith.constant 1.000000e+00 : f32
    %add3A_179 = vector.broadcast %add3A_178 : f32 to vector<16xf32>
    %add3A_180 = arith.addf %add3A_179, %exp3A_177 : vector<16xf32>
    %div3A_181 = arith.constant 1.000000e+00 : f32
    %div3A_182 = vector.broadcast %div3A_181 : f32 to vector<16xf32>
    %div3A_183 = arith.divf %div3A_182, %add3A_180 : vector<16xf32>
    %swap3A_184 = arith.constant 176 : index
    %swap3A_185 = tpu.vector_load %arg12[%swap3A_184] {strides = array<i32>} : memref<528xf32, #tpu.memory_space<vmem>>, vector<16xf32>,
    tpu.vector_store %arg12[%swap3A_184], %div3A_183 {strides = array<i32>} : memref<528xf32, #tpu.memory_space<vmem>>, vector<16xf32>,
    %get3A_186 = arith.constant 192 : index
    %get3A_187 = tpu.vector_load %arg12[%get3A_186] {strides = array<i32>} : memref<528xf32, #tpu.memory_space<vmem>>, vector<16xf32>,
    %add3A_188 = arith.addf %get3A_187, %get3A_8 : vector<16xf32>
    %neg3A_189 = arith.constant 0.000000e+00 : f32
    %neg3A_190 = vector.broadcast %neg3A_189 : f32 to vector<16xf32>
    %neg3A_191 = arith.subf %neg3A_190, %add3A_188 : vector<16xf32>
    %exp3A_192 = math.exp %neg3A_191 : vector<16xf32>
    %add3A_193 = arith.constant 1.000000e+00 : f32
    %add3A_194 = vector.broadcast %add3A_193 : f32 to vector<16xf32>
    %add3A_195 = arith.addf %add3A_194, %exp3A_192 : vector<16xf32>
    %div3A_196 = arith.constant 1.000000e+00 : f32
    %div3A_197 = vector.broadcast %div3A_196 : f32 to vector<16xf32>
    %div3A_198 = arith.divf %div3A_197, %add3A_195 : vector<16xf32>
    %swap3A_199 = arith.constant 192 : index
    %swap3A_200 = tpu.vector_load %arg12[%swap3A_199] {strides = array<i32>} : memref<528xf32, #tpu.memory_space<vmem>>, vector<16xf32>,
    tpu.vector_store %arg12[%swap3A_199], %div3A_198 {strides = array<i32>} : memref<528xf32, #tpu.memory_space<vmem>>, vector<16xf32>,
    %get3A_201 = arith.constant 208 : index
    %get3A_202 = tpu.vector_load %arg12[%get3A_201] {strides = array<i32>} : memref<528xf32, #tpu.memory_space<vmem>>, vector<16xf32>,
    %add3A_203 = arith.addf %get3A_202, %get3A_8 : vector<16xf32>
    %neg3A_204 = arith.constant 0.000000e+00 : f32
    %neg3A_205 = vector.broadcast %neg3A_204 : f32 to vector<16xf32>
    %neg3A_206 = arith.subf %neg3A_205, %add3A_203 : vector<16xf32>
    %exp3A_207 = math.exp %neg3A_206 : vector<16xf32>
    %add3A_208 = arith.constant 1.000000e+00 : f32
    %add3A_209 = vector.broadcast %add3A_208 : f32 to vector<16xf32>
    %add3A_210 = arith.addf %add3A_209, %exp3A_207 : vector<16xf32>
    %div3A_211 = arith.constant 1.000000e+00 : f32
    %div3A_212 = vector.broadcast %div3A_211 : f32 to vector<16xf32>
    %div3A_213 = arith.divf %div3A_212, %add3A_210 : vector<16xf32>
    %swap3A_214 = arith.constant 208 : index
    %swap3A_215 = tpu.vector_load %arg12[%swap3A_214] {strides = array<i32>} : memref<528xf32, #tpu.memory_space<vmem>>, vector<16xf32>,
    tpu.vector_store %arg12[%swap3A_214], %div3A_213 {strides = array<i32>} : memref<528xf32, #tpu.memory_space<vmem>>, vector<16xf32>,
    %get3A_216 = arith.constant 224 : index
    %get3A_217 = tpu.vector_load %arg12[%get3A_216] {strides = array<i32>} : memref<528xf32, #tpu.memory_space<vmem>>, vector<16xf32>,
    %add3A_218 = arith.addf %get3A_217, %get3A_8 : vector<16xf32>
    %neg3A_219 = arith.constant 0.000000e+00 : f32
    %neg3A_220 = vector.broadcast %neg3A_219 : f32 to vector<16xf32>
    %neg3A_221 = arith.subf %neg3A_220, %add3A_218 : vector<16xf32>
    %exp3A_222 = math.exp %neg3A_221 : vector<16xf32>
    %add3A_223 = arith.constant 1.000000e+00 : f32
    %add3A_224 = vector.broadcast %add3A_223 : f32 to vector<16xf32>
    %add3A_225 = arith.addf %add3A_224, %exp3A_222 : vector<16xf32>
    %div3A_226 = arith.constant 1.000000e+00 : f32
    %div3A_227 = vector.broadcast %div3A_226 : f32 to vector<16xf32>
    %div3A_228 = arith.divf %div3A_227, %add3A_225 : vector<16xf32>
    %swap3A_229 = arith.constant 224 : index
    %swap3A_230 = tpu.vector_load %arg12[%swap3A_229] {strides = array<i32>} : memref<528xf32, #tpu.memory_space<vmem>>, vector<16xf32>,
    tpu.vector_store %arg12[%swap3A_229], %div3A_228 {strides = array<i32>} : memref<528xf32, #tpu.memory_space<vmem>>, vector<16xf32>,
    %get3A_231 = arith.constant 240 : index
    %get3A_232 = tpu.vector_load %arg12[%get3A_231] {strides = array<i32>} : memref<528xf32, #tpu.memory_space<vmem>>, vector<16xf32>,
    %add3A_233 = arith.addf %get3A_232, %get3A_8 : vector<16xf32>
    %neg3A_234 = arith.constant 0.000000e+00 : f32
    %neg3A_235 = vector.broadcast %neg3A_234 : f32 to vector<16xf32>
    %neg3A_236 = arith.subf %neg3A_235, %add3A_233 : vector<16xf32>
    %exp3A_237 = math.exp %neg3A_236 : vector<16xf32>
    %add3A_238 = arith.constant 1.000000e+00 : f32
    %add3A_239 = vector.broadcast %add3A_238 : f32 to vector<16xf32>
    %add3A_240 = arith.addf %add3A_239, %exp3A_237 : vector<16xf32>
    %div3A_241 = arith.constant 1.000000e+00 : f32
    %div3A_242 = vector.broadcast %div3A_241 : f32 to vector<16xf32>
    %div3A_243 = arith.divf %div3A_242, %add3A_240 : vector<16xf32>
    %swap3A_244 = arith.constant 240 : index
    %swap3A_245 = tpu.vector_load %arg12[%swap3A_244] {strides = array<i32>} : memref<528xf32, #tpu.memory_space<vmem>>, vector<16xf32>,
    tpu.vector_store %arg12[%swap3A_244], %div3A_243 {strides = array<i32>} : memref<528xf32, #tpu.memory_space<vmem>>, vector<16xf32>,
    %get3A_246 = arith.constant 256 : index
    %get3A_247 = tpu.vector_load %arg12[%get3A_246] {strides = array<i32>} : memref<528xf32, #tpu.memory_space<vmem>>, vector<16xf32>,
    %add3A_248 = arith.addf %get3A_247, %get3A_8 : vector<16xf32>
    %neg3A_249 = arith.constant 0.000000e+00 : f32
    %neg3A_250 = vector.broadcast %neg3A_249 : f32 to vector<16xf32>
    %neg3A_251 = arith.subf %neg3A_250, %add3A_248 : vector<16xf32>
    %exp3A_252 = math.exp %neg3A_251 : vector<16xf32>
    %add3A_253 = arith.constant 1.000000e+00 : f32
    %add3A_254 = vector.broadcast %add3A_253 : f32 to vector<16xf32>
    %add3A_255 = arith.addf %add3A_254, %exp3A_252 : vector<16xf32>
    %div3A_256 = arith.constant 1.000000e+00 : f32
    %div3A_257 = vector.broadcast %div3A_256 : f32 to vector<16xf32>
    %div3A_258 = arith.divf %div3A_257, %add3A_255 : vector<16xf32>
    %swap3A_259 = arith.constant 256 : index
    %swap3A_260 = tpu.vector_load %arg12[%swap3A_259] {strides = array<i32>} : memref<528xf32, #tpu.memory_space<vmem>>, vector<16xf32>,
    tpu.vector_store %arg12[%swap3A_259], %div3A_258 {strides = array<i32>} : memref<528xf32, #tpu.memory_space<vmem>>, vector<16xf32>,
    %get3A_261 = arith.constant 272 : index
    %get3A_262 = tpu.vector_load %arg12[%get3A_261] {strides = array<i32>} : memref<528xf32, #tpu.memory_space<vmem>>, vector<16xf32>,
    %add3A_263 = arith.addf %get3A_262, %get3A_8 : vector<16xf32>
    %neg3A_264 = arith.constant 0.000000e+00 : f32
    %neg3A_265 = vector.broadcast %neg3A_264 : f32 to vector<16xf32>
    %neg3A_266 = arith.subf %neg3A_265, %add3A_263 : vector<16xf32>
    %exp3A_267 = math.exp %neg3A_266 : vector<16xf32>
    %add3A_268 = arith.constant 1.000000e+00 : f32
    %add3A_269 = vector.broadcast %add3A_268 : f32 to vector<16xf32>
    %add3A_270 = arith.addf %add3A_269, %exp3A_267 : vector<16xf32>
    %div3A_271 = arith.constant 1.000000e+00 : f32
    %div3A_272 = vector.broadcast %div3A_271 : f32 to vector<16xf32>
    %div3A_273 = arith.divf %div3A_272, %add3A_270 : vector<16xf32>
    %swap3A_274 = arith.constant 272 : index
    %swap3A_275 = tpu.vector_load %arg12[%swap3A_274] {strides = array<i32>} : memref<528xf32, #tpu.memory_space<vmem>>, vector<16xf32>,
    tpu.vector_store %arg12[%swap3A_274], %div3A_273 {strides = array<i32>} : memref<528xf32, #tpu.memory_space<vmem>>, vector<16xf32>,
    %get3A_276 = arith.constant 288 : index
    %get3A_277 = tpu.vector_load %arg12[%get3A_276] {strides = array<i32>} : memref<528xf32, #tpu.memory_space<vmem>>, vector<16xf32>,
    %add3A_278 = arith.addf %get3A_277, %get3A_8 : vector<16xf32>
    %neg3A_279 = arith.constant 0.000000e+00 : f32
    %neg3A_280 = vector.broadcast %neg3A_279 : f32 to vector<16xf32>
    %neg3A_281 = arith.subf %neg3A_280, %add3A_278 : vector<16xf32>
    %exp3A_282 = math.exp %neg3A_281 : vector<16xf32>
    %add3A_283 = arith.constant 1.000000e+00 : f32
    %add3A_284 = vector.broadcast %add3A_283 : f32 to vector<16xf32>
    %add3A_285 = arith.addf %add3A_284, %exp3A_282 : vector<16xf32>
    %div3A_286 = arith.constant 1.000000e+00 : f32
    %div3A_287 = vector.broadcast %div3A_286 : f32 to vector<16xf32>
    %div3A_288 = arith.divf %div3A_287, %add3A_285 : vector<16xf32>
    %swap3A_289 = arith.constant 288 : index
    %swap3A_290 = tpu.vector_load %arg12[%swap3A_289] {strides = array<i32>} : memref<528xf32, #tpu.memory_space<vmem>>, vector<16xf32>,
    tpu.vector_store %arg12[%swap3A_289], %div3A_288 {strides = array<i32>} : memref<528xf32, #tpu.memory_space<vmem>>, vector<16xf32>,
    %get3A_291 = arith.constant 304 : index
    %get3A_292 = tpu.vector_load %arg12[%get3A_291] {strides = array<i32>} : memref<528xf32, #tpu.memory_space<vmem>>, vector<16xf32>,
    %add3A_293 = arith.addf %get3A_292, %get3A_8 : vector<16xf32>
    %neg3A_294 = arith.constant 0.000000e+00 : f32
    %neg3A_295 = vector.broadcast %neg3A_294 : f32 to vector<16xf32>
    %neg3A_296 = arith.subf %neg3A_295, %add3A_293 : vector<16xf32>
    %exp3A_297 = math.exp %neg3A_296 : vector<16xf32>
    %add3A_298 = arith.constant 1.000000e+00 : f32
    %add3A_299 = vector.broadcast %add3A_298 : f32 to vector<16xf32>
    %add3A_300 = arith.addf %add3A_299, %exp3A_297 : vector<16xf32>
    %div3A_301 = arith.constant 1.000000e+00 : f32
    %div3A_302 = vector.broadcast %div3A_301 : f32 to vector<16xf32>
    %div3A_303 = arith.divf %div3A_302, %add3A_300 : vector<16xf32>
    %swap3A_304 = arith.constant 304 : index
    %swap3A_305 = tpu.vector_load %arg12[%swap3A_304] {strides = array<i32>} : memref<528xf32, #tpu.memory_space<vmem>>, vector<16xf32>,
    tpu.vector_store %arg12[%swap3A_304], %div3A_303 {strides = array<i32>} : memref<528xf32, #tpu.memory_space<vmem>>, vector<16xf32>,
    %get3A_306 = arith.constant 320 : index
    %get3A_307 = tpu.vector_load %arg12[%get3A_306] {strides = array<i32>} : memref<528xf32, #tpu.memory_space<vmem>>, vector<16xf32>,
    %add3A_308 = arith.addf %get3A_307, %get3A_8 : vector<16xf32>
    %neg3A_309 = arith.constant 0.000000e+00 : f32
    %neg3A_310 = vector.broadcast %neg3A_309 : f32 to vector<16xf32>
    %neg3A_311 = arith.subf %neg3A_310, %add3A_308 : vector<16xf32>
    %exp3A_312 = math.exp %neg3A_311 : vector<16xf32>
    %add3A_313 = arith.constant 1.000000e+00 : f32
    %add3A_314 = vector.broadcast %add3A_313 : f32 to vector<16xf32>
    %add3A_315 = arith.addf %add3A_314, %exp3A_312 : vector<16xf32>
    %div3A_316 = arith.constant 1.000000e+00 : f32
    %div3A_317 = vector.broadcast %div3A_316 : f32 to vector<16xf32>
    %div3A_318 = arith.divf %div3A_317, %add3A_315 : vector<16xf32>
    %swap3A_319 = arith.constant 320 : index
    %swap3A_320 = tpu.vector_load %arg12[%swap3A_319] {strides = array<i32>} : memref<528xf32, #tpu.memory_space<vmem>>, vector<16xf32>,
    tpu.vector_store %arg12[%swap3A_319], %div3A_318 {strides = array<i32>} : memref<528xf32, #tpu.memory_space<vmem>>, vector<16xf32>,
    %get3A_321 = arith.constant 336 : index
    %get3A_322 = tpu.vector_load %arg12[%get3A_321] {strides = array<i32>} : memref<528xf32, #tpu.memory_space<vmem>>, vector<16xf32>,
    %add3A_323 = arith.addf %get3A_322, %get3A_8 : vector<16xf32>
    %neg3A_324 = arith.constant 0.000000e+00 : f32
    %neg3A_325 = vector.broadcast %neg3A_324 : f32 to vector<16xf32>
    %neg3A_326 = arith.subf %neg3A_325, %add3A_323 : vector<16xf32>
    %exp3A_327 = math.exp %neg3A_326 : vector<16xf32>
    %add3A_328 = arith.constant 1.000000e+00 : f32
    %add3A_329 = vector.broadcast %add3A_328 : f32 to vector<16xf32>
    %add3A_330 = arith.addf %add3A_329, %exp3A_327 : vector<16xf32>
    %div3A_331 = arith.constant 1.000000e+00 : f32
    %div3A_332 = vector.broadcast %div3A_331 : f32 to vector<16xf32>
    %div3A_333 = arith.divf %div3A_332, %add3A_330 : vector<16xf32>
    %swap3A_334 = arith.constant 336 : index
    %swap3A_335 = tpu.vector_load %arg12[%swap3A_334] {strides = array<i32>} : memref<528xf32, #tpu.memory_space<vmem>>, vector<16xf32>,
    tpu.vector_store %arg12[%swap3A_334], %div3A_333 {strides = array<i32>} : memref<528xf32, #tpu.memory_space<vmem>>, vector<16xf32>,
    %get3A_336 = arith.constant 352 : index
    %get3A_337 = tpu.vector_load %arg12[%get3A_336] {strides = array<i32>} : memref<528xf32, #tpu.memory_space<vmem>>, vector<16xf32>,
    %add3A_338 = arith.addf %get3A_337, %get3A_8 : vector<16xf32>
    %neg3A_339 = arith.constant 0.000000e+00 : f32
    %neg3A_340 = vector.broadcast %neg3A_339 : f32 to vector<16xf32>
    %neg3A_341 = arith.subf %neg3A_340, %add3A_338 : vector<16xf32>
    %exp3A_342 = math.exp %neg3A_341 : vector<16xf32>
    %add3A_343 = arith.constant 1.000000e+00 : f32
    %add3A_344 = vector.broadcast %add3A_343 : f32 to vector<16xf32>
    %add3A_345 = arith.addf %add3A_344, %exp3A_342 : vector<16xf32>
    %div3A_346 = arith.constant 1.000000e+00 : f32
    %div3A_347 = vector.broadcast %div3A_346 : f32 to vector<16xf32>
    %div3A_348 = arith.divf %div3A_347, %add3A_345 : vector<16xf32>
    %swap3A_349 = arith.constant 352 : index
    %swap3A_350 = tpu.vector_load %arg12[%swap3A_349] {strides = array<i32>} : memref<528xf32, #tpu.memory_space<vmem>>, vector<16xf32>,
    tpu.vector_store %arg12[%swap3A_349], %div3A_348 {strides = array<i32>} : memref<528xf32, #tpu.memory_space<vmem>>, vector<16xf32>,
    %get3A_351 = arith.constant 368 : index
    %get3A_352 = tpu.vector_load %arg12[%get3A_351] {strides = array<i32>} : memref<528xf32, #tpu.memory_space<vmem>>, vector<16xf32>,
    %add3A_353 = arith.addf %get3A_352, %get3A_8 : vector<16xf32>
    %neg3A_354 = arith.constant 0.000000e+00 : f32
    %neg3A_355 = vector.broadcast %neg3A_354 : f32 to vector<16xf32>
    %neg3A_356 = arith.subf %neg3A_355, %add3A_353 : vector<16xf32>
    %exp3A_357 = math.exp %neg3A_356 : vector<16xf32>
    %add3A_358 = arith.constant 1.000000e+00 : f32
    %add3A_359 = vector.broadcast %add3A_358 : f32 to vector<16xf32>
    %add3A_360 = arith.addf %add3A_359, %exp3A_357 : vector<16xf32>
    %div3A_361 = arith.constant 1.000000e+00 : f32
    %div3A_362 = vector.broadcast %div3A_361 : f32 to vector<16xf32>
    %div3A_363 = arith.divf %div3A_362, %add3A_360 : vector<16xf32>
    %swap3A_364 = arith.constant 368 : index
    %swap3A_365 = tpu.vector_load %arg12[%swap3A_364] {strides = array<i32>} : memref<528xf32, #tpu.memory_space<vmem>>, vector<16xf32>,
    tpu.vector_store %arg12[%swap3A_364], %div3A_363 {strides = array<i32>} : memref<528xf32, #tpu.memory_space<vmem>>, vector<16xf32>,
    %get3A_366 = arith.constant 384 : index
    %get3A_367 = tpu.vector_load %arg12[%get3A_366] {strides = array<i32>} : memref<528xf32, #tpu.memory_space<vmem>>, vector<16xf32>,
    %add3A_368 = arith.addf %get3A_367, %get3A_8 : vector<16xf32>
    %neg3A_369 = arith.constant 0.000000e+00 : f32
    %neg3A_370 = vector.broadcast %neg3A_369 : f32 to vector<16xf32>
    %neg3A_371 = arith.subf %neg3A_370, %add3A_368 : vector<16xf32>
    %exp3A_372 = math.exp %neg3A_371 : vector<16xf32>
    %add3A_373 = arith.constant 1.000000e+00 : f32
    %add3A_374 = vector.broadcast %add3A_373 : f32 to vector<16xf32>
    %add3A_375 = arith.addf %add3A_374, %exp3A_372 : vector<16xf32>
    %div3A_376 = arith.constant 1.000000e+00 : f32
    %div3A_377 = vector.broadcast %div3A_376 : f32 to vector<16xf32>
    %div3A_378 = arith.divf %div3A_377, %add3A_375 : vector<16xf32>
    %swap3A_379 = arith.constant 384 : index
    %swap3A_380 = tpu.vector_load %arg12[%swap3A_379] {strides = array<i32>} : memref<528xf32, #tpu.memory_space<vmem>>, vector<16xf32>,
    tpu.vector_store %arg12[%swap3A_379], %div3A_378 {strides = array<i32>} : memref<528xf32, #tpu.memory_space<vmem>>, vector<16xf32>,
    %get3A_381 = arith.constant 400 : index
    %get3A_382 = tpu.vector_load %arg12[%get3A_381] {strides = array<i32>} : memref<528xf32, #tpu.memory_space<vmem>>, vector<16xf32>,
    %add3A_383 = arith.addf %get3A_382, %get3A_8 : vector<16xf32>
    %neg3A_384 = arith.constant 0.000000e+00 : f32
    %neg3A_385 = vector.broadcast %neg3A_384 : f32 to vector<16xf32>
    %neg3A_386 = arith.subf %neg3A_385, %add3A_383 : vector<16xf32>
    %exp3A_387 = math.exp %neg3A_386 : vector<16xf32>
    %add3A_388 = arith.constant 1.000000e+00 : f32
    %add3A_389 = vector.broadcast %add3A_388 : f32 to vector<16xf32>
    %add3A_390 = arith.addf %add3A_389, %exp3A_387 : vector<16xf32>
    %div3A_391 = arith.constant 1.000000e+00 : f32
    %div3A_392 = vector.broadcast %div3A_391 : f32 to vector<16xf32>
    %div3A_393 = arith.divf %div3A_392, %add3A_390 : vector<16xf32>
    %swap3A_394 = arith.constant 400 : index
    %swap3A_395 = tpu.vector_load %arg12[%swap3A_394] {strides = array<i32>} : memref<528xf32, #tpu.memory_space<vmem>>, vector<16xf32>,
    tpu.vector_store %arg12[%swap3A_394], %div3A_393 {strides = array<i32>} : memref<528xf32, #tpu.memory_space<vmem>>, vector<16xf32>,
    %get3A_396 = arith.constant 416 : index
    %get3A_397 = tpu.vector_load %arg12[%get3A_396] {strides = array<i32>} : memref<528xf32, #tpu.memory_space<vmem>>, vector<16xf32>,
    %add3A_398 = arith.addf %get3A_397, %get3A_8 : vector<16xf32>
    %neg3A_399 = arith.constant 0.000000e+00 : f32
    %neg3A_400 = vector.broadcast %neg3A_399 : f32 to vector<16xf32>
    %neg3A_401 = arith.subf %neg3A_400, %add3A_398 : vector<16xf32>
    %exp3A_402 = math.exp %neg3A_401 : vector<16xf32>
    %add3A_403 = arith.constant 1.000000e+00 : f32
    %add3A_404 = vector.broadcast %add3A_403 : f32 to vector<16xf32>
    %add3A_405 = arith.addf %add3A_404, %exp3A_402 : vector<16xf32>
    %div3A_406 = arith.constant 1.000000e+00 : f32
    %div3A_407 = vector.broadcast %div3A_406 : f32 to vector<16xf32>
    %div3A_408 = arith.divf %div3A_407, %add3A_405 : vector<16xf32>
    %swap3A_409 = arith.constant 416 : index
    %swap3A_410 = tpu.vector_load %arg12[%swap3A_409] {strides = array<i32>} : memref<528xf32, #tpu.memory_space<vmem>>, vector<16xf32>,
    tpu.vector_store %arg12[%swap3A_409], %div3A_408 {strides = array<i32>} : memref<528xf32, #tpu.memory_space<vmem>>, vector<16xf32>,
    %get3A_411 = arith.constant 432 : index
    %get3A_412 = tpu.vector_load %arg12[%get3A_411] {strides = array<i32>} : memref<528xf32, #tpu.memory_space<vmem>>, vector<16xf32>,
    %add3A_413 = arith.addf %get3A_412, %get3A_8 : vector<16xf32>
    %neg3A_414 = arith.constant 0.000000e+00 : f32
    %neg3A_415 = vector.broadcast %neg3A_414 : f32 to vector<16xf32>
    %neg3A_416 = arith.subf %neg3A_415, %add3A_413 : vector<16xf32>
    %exp3A_417 = math.exp %neg3A_416 : vector<16xf32>
    %add3A_418 = arith.constant 1.000000e+00 : f32
    %add3A_419 = vector.broadcast %add3A_418 : f32 to vector<16xf32>
    %add3A_420 = arith.addf %add3A_419, %exp3A_417 : vector<16xf32>
    %div3A_421 = arith.constant 1.000000e+00 : f32
    %div3A_422 = vector.broadcast %div3A_421 : f32 to vector<16xf32>
    %div3A_423 = arith.divf %div3A_422, %add3A_420 : vector<16xf32>
    %swap3A_424 = arith.constant 432 : index
    %swap3A_425 = tpu.vector_load %arg12[%swap3A_424] {strides = array<i32>} : memref<528xf32, #tpu.memory_space<vmem>>, vector<16xf32>,
    tpu.vector_store %arg12[%swap3A_424], %div3A_423 {strides = array<i32>} : memref<528xf32, #tpu.memory_space<vmem>>, vector<16xf32>,
    %get3A_426 = arith.constant 448 : index
    %get3A_427 = tpu.vector_load %arg12[%get3A_426] {strides = array<i32>} : memref<528xf32, #tpu.memory_space<vmem>>, vector<16xf32>,
    %add3A_428 = arith.addf %get3A_427, %get3A_8 : vector<16xf32>
    %neg3A_429 = arith.constant 0.000000e+00 : f32
    %neg3A_430 = vector.broadcast %neg3A_429 : f32 to vector<16xf32>
    %neg3A_431 = arith.subf %neg3A_430, %add3A_428 : vector<16xf32>
    %exp3A_432 = math.exp %neg3A_431 : vector<16xf32>
    %add3A_433 = arith.constant 1.000000e+00 : f32
    %add3A_434 = vector.broadcast %add3A_433 : f32 to vector<16xf32>
    %add3A_435 = arith.addf %add3A_434, %exp3A_432 : vector<16xf32>
    %div3A_436 = arith.constant 1.000000e+00 : f32
    %div3A_437 = vector.broadcast %div3A_436 : f32 to vector<16xf32>
    %div3A_438 = arith.divf %div3A_437, %add3A_435 : vector<16xf32>
    %swap3A_439 = arith.constant 448 : index
    %swap3A_440 = tpu.vector_load %arg12[%swap3A_439] {strides = array<i32>} : memref<528xf32, #tpu.memory_space<vmem>>, vector<16xf32>,
    tpu.vector_store %arg12[%swap3A_439], %div3A_438 {strides = array<i32>} : memref<528xf32, #tpu.memory_space<vmem>>, vector<16xf32>,
    %get3A_441 = arith.constant 464 : index
    %get3A_442 = tpu.vector_load %arg12[%get3A_441] {strides = array<i32>} : memref<528xf32, #tpu.memory_space<vmem>>, vector<16xf32>,
    %add3A_443 = arith.addf %get3A_442, %get3A_8 : vector<16xf32>
    %neg3A_444 = arith.constant 0.000000e+00 : f32
    %neg3A_445 = vector.broadcast %neg3A_444 : f32 to vector<16xf32>
    %neg3A_446 = arith.subf %neg3A_445, %add3A_443 : vector<16xf32>
    %exp3A_447 = math.exp %neg3A_446 : vector<16xf32>
    %add3A_448 = arith.constant 1.000000e+00 : f32
    %add3A_449 = vector.broadcast %add3A_448 : f32 to vector<16xf32>
    %add3A_450 = arith.addf %add3A_449, %exp3A_447 : vector<16xf32>
    %div3A_451 = arith.constant 1.000000e+00 : f32
    %div3A_452 = vector.broadcast %div3A_451 : f32 to vector<16xf32>
    %div3A_453 = arith.divf %div3A_452, %add3A_450 : vector<16xf32>
    %swap3A_454 = arith.constant 464 : index
    %swap3A_455 = tpu.vector_load %arg12[%swap3A_454] {strides = array<i32>} : memref<528xf32, #tpu.memory_space<vmem>>, vector<16xf32>,
    tpu.vector_store %arg12[%swap3A_454], %div3A_453 {strides = array<i32>} : memref<528xf32, #tpu.memory_space<vmem>>, vector<16xf32>,
    %get3A_456 = arith.constant 480 : index
    %get3A_457 = tpu.vector_load %arg12[%get3A_456] {strides = array<i32>} : memref<528xf32, #tpu.memory_space<vmem>>, vector<16xf32>,
    %add3A_458 = arith.addf %get3A_457, %get3A_8 : vector<16xf32>
    %neg3A_459 = arith.constant 0.000000e+00 : f32
    %neg3A_460 = vector.broadcast %neg3A_459 : f32 to vector<16xf32>
    %neg3A_461 = arith.subf %neg3A_460, %add3A_458 : vector<16xf32>
    %exp3A_462 = math.exp %neg3A_461 : vector<16xf32>
    %add3A_463 = arith.constant 1.000000e+00 : f32
    %add3A_464 = vector.broadcast %add3A_463 : f32 to vector<16xf32>
    %add3A_465 = arith.addf %add3A_464, %exp3A_462 : vector<16xf32>
    %div3A_466 = arith.constant 1.000000e+00 : f32
    %div3A_467 = vector.broadcast %div3A_466 : f32 to vector<16xf32>
    %div3A_468 = arith.divf %div3A_467, %add3A_465 : vector<16xf32>
    %swap3A_469 = arith.constant 480 : index
    %swap3A_470 = tpu.vector_load %arg12[%swap3A_469] {strides = array<i32>} : memref<528xf32, #tpu.memory_space<vmem>>, vector<16xf32>,
    tpu.vector_store %arg12[%swap3A_469], %div3A_468 {strides = array<i32>} : memref<528xf32, #tpu.memory_space<vmem>>, vector<16xf32>,
    %get3A_471 = arith.constant 496 : index
    %get3A_472 = tpu.vector_load %arg12[%get3A_471] {strides = array<i32>} : memref<528xf32, #tpu.memory_space<vmem>>, vector<16xf32>,
    %add3A_473 = arith.addf %get3A_472, %get3A_8 : vector<16xf32>
    %neg3A_474 = arith.constant 0.000000e+00 : f32
    %neg3A_475 = vector.broadcast %neg3A_474 : f32 to vector<16xf32>
    %neg3A_476 = arith.subf %neg3A_475, %add3A_473 : vector<16xf32>
    %exp3A_477 = math.exp %neg3A_476 : vector<16xf32>
    %add3A_478 = arith.constant 1.000000e+00 : f32
    %add3A_479 = vector.broadcast %add3A_478 : f32 to vector<16xf32>
    %add3A_480 = arith.addf %add3A_479, %exp3A_477 : vector<16xf32>
    %div3A_481 = arith.constant 1.000000e+00 : f32
    %div3A_482 = vector.broadcast %div3A_481 : f32 to vector<16xf32>
    %div3A_483 = arith.divf %div3A_482, %add3A_480 : vector<16xf32>
    %swap3A_484 = arith.constant 496 : index
    %swap3A_485 = tpu.vector_load %arg12[%swap3A_484] {strides = array<i32>} : memref<528xf32, #tpu.memory_space<vmem>>, vector<16xf32>,
    tpu.vector_store %arg12[%swap3A_484], %div3A_483 {strides = array<i32>} : memref<528xf32, #tpu.memory_space<vmem>>, vector<16xf32>,
    %mul3A_486 = arith.constant 512 : i32
    %mul3A_487 = arith.muli %add3A, %mul3A_486 : i32
    "tpu.region"() ({
      %run_scoped3A = tpu.sem_alloc : memref<!tpu.dma_semaphore, #tpu.memory_space<semaphore_mem>>
      %dma_start3A = arith.constant 0 : i32
      %dma_start3A_488 = tpu.memref_slice %arg12[%dma_start3A] : memref<528xf32, #tpu.memory_space<vmem>> -> memref<512xf32, #tpu.memory_space<vmem>>
      %dma_start3A_489 = tpu.memref_slice %arg8[%mul3A_487] : memref<16384xf32, #tpu.memory_space<hbm>> -> memref<512xf32, #tpu.memory_space<hbm>>
      %dma_start3A_490 = tpu.memref_slice %arg8[%mul3A_487] : memref<16384xf32, #tpu.memory_space<hbm>> -> memref<512xf32, #tpu.memory_space<hbm>>
      %dma_start3A_491 = arith.constant 0 : i32
      %dma_start3A_492 = tpu.memref_slice %arg12[%dma_start3A_491] : memref<528xf32, #tpu.memory_space<vmem>> -> memref<512xf32, #tpu.memory_space<vmem>>
      tpu.enqueue_dma source(%dma_start3A_492 : memref<512xf32, #tpu.memory_space<vmem>>) target(%dma_start3A_490 : memref<512xf32, #tpu.memory_space<hbm>>) target_semaphore(%run_scoped3A : memref<!tpu.dma_semaphore, #tpu.memory_space<semaphore_mem>>)
      %dma_wait3A = arith.constant 0 : i32
      %dma_wait3A_493 = tpu.memref_slice %arg12[%dma_wait3A] : memref<528xf32, #tpu.memory_space<vmem>> -> memref<512xf32, #tpu.memory_space<vmem>>
      %dma_wait3A_494 = tpu.memref_slice %arg8[%mul3A_487] : memref<16384xf32, #tpu.memory_space<hbm>> -> memref<512xf32, #tpu.memory_space<hbm>>
      %dma_wait3A_495 = tpu.memref_slice %arg8[%mul3A_487] : memref<16384xf32, #tpu.memory_space<hbm>> -> memref<512xf32, #tpu.memory_space<hbm>>
      %dma_wait3A_496 = arith.constant 0 : i32
      %dma_wait3A_497 = tpu.memref_slice %arg12[%dma_wait3A_496] : memref<528xf32, #tpu.memory_space<vmem>> -> memref<512xf32, #tpu.memory_space<vmem>>
      tpu.wait_dma2 semaphore(%run_scoped3A : memref<!tpu.dma_semaphore, #tpu.memory_space<semaphore_mem>>) src(%dma_wait3A_497 : memref<512xf32, #tpu.memory_space<vmem>>) dst(%dma_wait3A_495 : memref<512xf32, #tpu.memory_space<hbm>>)
      tpu.yield
    }) : () -> ()
    return
  }
}

</mosaic_0001>

<sc_bundles>
// kernel: kernel.3.cloned.1.call-start
scs
__scs_entry_jumppad:
0x0: {  	(pc) =	sbr.rel $0x88, $3  }
0x1: {  	(tag) =	ssettag $0x0;
	lr =	simm.s32 $0x1  }
0x2: {  	[smem:$0x3F9D] =	sst lr;
	_ =	strace $0xD0000000  }
0x3: {  	_ = 	snop  }
0x4: {  	_ = 	snop  }
0x5: {  	_ = 	snop  }
0x6: {  	_ = 	snop  }
0x7: {  	_ = 	snop  }
__scs_overlays_trampoline_lowered:
0x8: {  	[smem:$0x3FAC] =	sst s0  }
0x9: {  	[smem:$0x3FAD] =	sst s1  }
0xa: {  	[smem:$0x3FAE] =	sst s2  }
0xb: {  	[smem:$0x3FAF] =	sst s3  }
0xc: {  	[smem:$0x3FB0] =	sst s4  }
0xd: {  	[smem:$0x3FB1] =	sst s5  }
0xe: {  	[smem:$0x3FB2] =	sst s6  }
0xf: {  	[smem:$0x3FB3] =	sst s7  }
0x10: {  	[smem:$0x3FB4] =	sst s8  }
0x11: {  	[smem:$0x3FB5] =	sst s9;
	s0 =	simm.s32 @!p0 $0x0  }
0x12: {  	s1 =	sld [smem:$0x3F9B];
	s0 =	simm.s32 @p0 $0x1  }
0x13: {  	[smem:$0x3FB6] =	sst s0;
	s0 =	simm.s32 @!p1 $0x0  }
0x14: {  	s2 =	sld [smem:$0x3F9A];
	s0 =	simm.s32 @p1 $0x1  }
0x15: {  	[smem:$0x3FB7] =	sst s0;
	s0 =	simm.s32 @!p2 $0x0  }
0x16: {  	s3 =	sld [smem:$0x3FDB];
	s0 =	simm.s32 @p2 $0x1  }
0x17: {  	s4 =	simm.s32 $0x1BF5;
	[smem:$0x3FB9] =	sst s0  }
0x18: {  	s0 =	sld [smem:$0x3F9C];
	_ =	swait.ge [sflag:s4], $0x0  }
0x19: {  	s7 =	sld [smem:$0x3F9D]  }
0x1a: {  	s8 =	sadd.s32 $0xFFFFE003, lr  }
0x1b: {  	s9 =	sadd.s32 $0xFFFFFEF7, lr;
	s5 =	simm.s32 $0xFFFFFFFF;
	p2 =	slt.u32 s8, $0xFFFFF086  }
0x1c: {  	p1 =	slt.u32 s9, $0xF7A;
	s5 =	simm.s32 @!p2 $0x0  }
0x1d: {  	s5 =	simm.s32 @p1 $0x1;
	p0 =	seq.s32 s7, s2  }
0x1e: {  	s7 =	smul.u32 @!p0 $0xF7A, s2;
	p2 =	seq.s32 @!p0 s5, $0x0  }
0x1f: {  	s9 =	smul.u32 $0xF7A, s1;
	s8 =	simm.s32 @!p0 $0x1BF5;
	p2 =	por !p2, p0  }
0x20: {  	[sflag:s8] =	ssyncset.s32 @!p0 $0xFFFFF086;
	s6 =	sadd.s32 @!p0 s3, s7;
	s7 =	simm.s32 @!p0 $0x108  }
0x21: {  	s3 =	sadd.s32 s3, s9;
	s6 =	sadd.s32 @!p0 $0x88, s6;
	s7 =	simm.s32 @p2 $0x1082  }
0x22: {  	[simem:s7], [sflag:s8] =	dma.local @!p0 [hbm:s6], $0xF7A  }
0x23: {  	s9 =	sor.u32 $0xD0000000, s2;
	s6 =	simm.s32 $0x108;
	_ =	swait.ge @!p0 [sflag:s8], $0x0  }
0x24: {  	s3 =	sadd.s32 $0x88, s3;
	s6 =	simm.s32 @!p1 $0x1082;
	[sflag:s4] =	ssyncset.s32 $0xFFFFF086  }
0x25: {  	[simem:s6], [sflag:s4] =	dma.local [hbm:s3], $0xF7A  }
0x26: {  	[smem:$0x3F9D] =	sst s1;
	(tag) =	ssettag s2;
	_ =	strace s9  }
0x27: {  	s1 =	sld [smem:$0x3FAD]  }
0x28: {  	s2 =	sld [smem:$0x3FAE]  }
0x29: {  	s4 =	sld [smem:$0x3FB0]  }
0x2a: {  	p0 =	seq.s32 s5, $0x0;
	s5 =	sld [smem:$0x3FB1]  }
0x2b: {  	s6 =	sld [smem:$0x3FB2]  }
0x2c: {  	s7 =	sld [smem:$0x3FB3]  }
0x2d: {  	s3 =	simm.s32 $0x108;
	s8 =	sld [smem:$0x3FB4]  }
0x2e: {  	s3 =	simm.s32 @!p0 $0x1082;
	s9 =	sld [smem:$0x3FB5]  }
0x2f: {  	lr =	sadd.s32 s0, s3;
	s0 =	sld [smem:$0x3FAC]  }
0x30: {  	s3 =	sld [smem:$0x3FAF]  }
0x31: {  	[smem:$0x3FB8] =	sst s10  }
0x32: {  	s10 =	sld [smem:$0x3FB6];
	_ =	sdelay $0x3  }
0x33: {  	p0 =	seq.s32 s10, $0x1;
	s10 =	sld [smem:$0x3FB8];
	_ =	sdelay $0x3  }
0x34: {  	[smem:$0x3FB8] =	sst s10  }
0x35: {  	s10 =	sld [smem:$0x3FB7];
	_ =	sdelay $0x3  }
0x36: {  	p1 =	seq.s32 s10, $0x1;
	s10 =	sld [smem:$0x3FB8];
	_ =	sdelay $0x3  }
0x37: {  	[smem:$0x3FB8] =	sst s10  }
0x38: {  	s10 =	sld [smem:$0x3FB9]  }
0x39: {  	_ = 	snop;
	(pc) =	sbr.ind lr, $3  }
0x3a: {  	_ = 	snop  }
0x3b: {  	_ = 	snop  }
0x3c: {  	p2 =	seq.s32 s10, $0x1;
	s10 =	sld [smem:$0x3FB8]  }
0x3d: {  	_ =	shalt  }
0x3e: {  	_ =	shalt  }
0x3f: {  	_ =	shalt  }
0x40: {  	_ =	shalt  }
0x41: {  	_ =	shalt  }
0x42: {  	_ =	shalt  }
0x43: {  	_ =	shalt  }
0x44: {  	_ =	shalt  }
0x45: {  	_ =	shalt  }
0x46: {  	_ =	shalt  }
0x47: {  	_ =	shalt  }
0x48: {  	_ =	shalt  }
0x49: {  	_ =	shalt  }
0x4a: {  	_ =	shalt  }
0x4b: {  	_ =	shalt  }
0x4c: {  	_ =	shalt  }
0x4d: {  	_ =	shalt  }
0x4e: {  	_ =	shalt  }
0x4f: {  	_ =	shalt  }
0x50: {  	_ =	shalt  }
0x51: {  	_ =	shalt  }
0x52: {  	_ =	shalt  }
0x53: {  	_ =	shalt  }
0x54: {  	_ =	shalt  }
0x55: {  	_ =	shalt  }
0x56: {  	_ =	shalt  }
0x57: {  	_ =	shalt  }
0x58: {  	_ =	shalt  }
0x59: {  	_ =	shalt  }
0x5a: {  	_ =	shalt  }
0x5b: {  	_ =	shalt  }
0x5c: {  	_ =	shalt  }
0x5d: {  	_ =	shalt  }
0x5e: {  	_ =	shalt  }
0x5f: {  	_ =	shalt  }
0x60: {  	_ =	shalt  }
0x61: {  	_ =	shalt  }
0x62: {  	_ =	shalt  }
0x63: {  	_ =	shalt  }
0x64: {  	_ =	shalt  }
0x65: {  	_ =	shalt  }
0x66: {  	_ =	shalt  }
0x67: {  	_ =	shalt  }
0x68: {  	_ =	shalt  }
0x69: {  	_ =	shalt  }
0x6a: {  	_ =	shalt  }
0x6b: {  	_ =	shalt  }
0x6c: {  	_ =	shalt  }
0x6d: {  	_ =	shalt  }
0x6e: {  	_ =	shalt  }
0x6f: {  	_ =	shalt  }
0x70: {  	_ =	shalt  }
0x71: {  	_ =	shalt  }
0x72: {  	_ =	shalt  }
0x73: {  	_ =	shalt  }
0x74: {  	_ =	shalt  }
0x75: {  	_ =	shalt  }
0x76: {  	_ =	shalt  }
0x77: {  	_ =	shalt  }
0x78: {  	_ =	shalt  }
0x79: {  	_ =	shalt  }
0x7a: {  	_ =	shalt  }
0x7b: {  	_ =	shalt  }
0x7c: {  	_ =	shalt  }
0x7d: {  	_ =	shalt  }
0x7e: {  	_ =	shalt  }
0x7f: {  	_ =	shalt  }
0x80: {  	_ =	shalt  }
0x81: {  	_ =	shalt  }
0x82: {  	_ =	shalt  }
0x83: {  	_ =	shalt  }
0x84: {  	_ =	shalt  }
0x85: {  	_ =	shalt  }
0x86: {  	_ =	shalt  }
0x87: {  	_ =	shalt  }
.Lfunc_end0:
.L_simem_size_0:
called_computation_lowered:
.L_overlay_start_0:
0x88: {  	s2 =	sld [smem:$0x3FD9]  }
0x89: {  	s3 =	sld [smem:$0x3FFE];
	_ =	sdelay $0x1  }
0x8a: {  	s1 =	srdreg.scid  }
0x8b: {  	s0 =	sand.u32 $0x1, s1  }
0x8c: {  	s17 =	sshll.u32 s0, $0xA;
	s2 =	sadd.s32 s3, s2  }
0x8d: {  	s2 =	sadd.s32 s2, s17  }
0x8e: {  	[smem:$0x3FC4] =	sst s2  }
0x8f: {  	_ = 	snop  }
0x90: {  	s2 =	sld [smem:$0x3FD0];
	(tm) =	ssettm $0x1  }
0x91: {  	s18 =	sld [smem:$0x3FFB];
	_ =	sdelay $0x3  }
0x92: {  	_ =	strace s18  }
0x93: {  	s3 =	sld [smem:$0x3FFC];
	_ =	sdelay $0x3  }
0x94: {  	_ =	strace s3  }
0x95: {  	s3 =	sld [smem:$0x3FFD];
	_ =	sdelay $0x3  }
0x96: {  	_ =	strace s3  }
0x97: {  	_ =	strace $0x8FFFFFFF  }
0x98: {  	s19 =	sld [smem:$0x3FDB];
	_ =	sdelay $0x1  }
0x99: {  	s4 =	simm.s32 $_scs_section_size  }
0x9a: {  	s5 =	simm.s32 $_size__tile_overlayer_lowered;
	s6 =	simm.s32 $_tile_overlayer_lowered  }
0x9b: {  	s22 =	simm.s32 $0x1BFF;
	s21 =	sshll.u32 s6, $0x1;
	s3 =	sadd.s32 s4, s19  }
0x9c: {  	s7 =	simm.s32 $0x0;
	s20 =	sshll.u32 s5, $0x1;
	s5 =	sadd.s32 s21, s3  }
0x9d: {  	[timem:s7], [sflag:s22] =	dma.local [hbm:s5], s20  }
0x9e: {  	_ =	swait.ge [sflag:s22], s20  }
0x9f: {  	s4 =	ssub.s32 $0x0, s20;
	[sflag:s22] =	ssyncset.done $0x0  }
0xa0: {  	[sflag:s22] =	ssyncadd.s32 s4;
	_ =	sdelay $0x1  }
0xa1: {  	s23 =	simm.s32 $0x1B8B  }
0xa2: {  	_ =	swait.ge [sflag:s23], $0x1  }
0xa3: {  	[sflag:s23] =	ssyncset.done $0x0  }
0xa4: {  	s25 =	simm.s32 $0x1B8E;
	s24 =	sld [smem:$0x3FFE];
	[sflag:s23] =	ssyncadd.s32 $0xFFFFFFFF  }
0xa5: {  	s26 =	simm.s32 $execute0_lowered;
	[smem:$0x3FD2] =	sst s25  }
0xa6: {  	s5 =	sshll.u32 s26, $0x1;
	_ =	strace $0x80000046;
	[dreg:$0x1] =	wrdreg $0xFFFFFFFF  }
0xa7: {  	s28 =	simm.s32 $_size_execute0_lowered;
	s3 =	sadd.s32 s3, s5;
	[dreg:$0x0] =	wrdreg $0x0  }
0xa8: {  	s5 =	sshll.u32 s28, $0x1;
	[dreg:$0x2] =	wrdreg s3  }
0xa9: {  	[dreg:$0x3] =	wrdreg s5  }
0xaa: {  	[dreg:$0x4] =	wrdreg $0xC0  }
0xab: {  	_ =	task [dreg:s7], $0x5FFFF  }
0xac: {  	[dreg:$0x1] =	wrdreg $0xFFFFFFFF  }
0xad: {  	[dreg:$0x0] =	wrdreg $0x60  }
0xae: {  	[dreg:$0x2] =	wrdreg s24  }
0xaf: {  	[dreg:$0x3] =	wrdreg s2  }
0xb0: {  	[dreg:$0x4] =	wrdreg $0x9  }
0xb1: {  	_ =	task.clear_ibuf [dreg:s7], $0x5FFFF;
	_ =	strace $0x90000046  }
0xb2: {  	s29 =	simm.s32 $0x9;
	_ =	strace $0x80000048  }
0xb3: {  	_ =	swait.ge [sflag:s29], $0x1  }
0xb4: {  	[sflag:s29] =	ssyncadd.s32 $0xFFFFFFFF  }
0xb5: {  	_ =	strace $0x90000048  }
0xb6: {  	_ =	sfence  }
0xb7: {  	s30 =	sld [smem:$0x0];
	_ =	sdelay $0x2  }
0xb8: {  	s31 =	sshll.u32 s1, $0xD;
	s1 =	sshrl.u32 s1, $0x2  }
0xb9: {  	s3 =	sand.u32 $0x4000, s31;
	s1 =	sadd.s32 s1, s30  }
0xba: {  	s0 =	sor.u32 s3, s0;
	s1 =	sshll.u32 s1, $0x11  }
0xbb: {  	s0 =	sor.u32 s1, s0  }
0xbc: {  	s0 =	sadd.s32 $0x8F2B, s0  }
0xbd: {  	[sflag:s0] =	ssyncadd.remote.s32 $0x1  }
0xbe: {  	_ =	sfence.sel $0xFFFF  }
0xbf: {  	[dreg:$0x0] =	wrdreg $0xFFFFFFFF;
	(pc) =	sbr.abs _section_cstart, $3  }
0xc0: {  	[dreg:$0x1] =	wrdreg $0xFFFFFFFF  }
0xc1: {  	_ =	task.clear_ibuf [dreg:s7], $0x2FFFF;
	_ =	strace $0x9FFFFFFF  }
0xc2: {  	(tm) =	ssettm $0x7FFFFFFF  }
0xc3: {  	_ =	shalt  }
tec
execute0_lowered:
.L_overlay_start_1:
0x0: {  	(tag) =	ssettag $0x1  }
0x1: {  	s1 =	srdreg.scid;
	s7 =	rddreg [dreg:$0x0]  }
0x2: {  	s0 =	stileid.u32;
	s9 =	rddreg [dreg:$0x1];
	s2 =	simm.s32 $0x0  }
0x3: {  	s13 =	simm.s32 $0xA4B0;
	s14 =	simm.s32 $0xA4C0;
	s15 =	simm.s32 $0x680  }
0x4: {  	s16 =	simm.s32 $0x3400;
	s17 =	simm.s32 $0x1;
	s18 =	simm.s32 $0x2  }
0x5: {  	s19 =	simm.s32 $0xA290;
	s6 =	sand.u32 $0x1, s1;
	s1 =	rddreg [dreg:$0x2]  }
0x6: {  	s20 =	simm.s32 $0x0;
	s31 =	sshll.u32 s0, $0x1;
	[smem:$0x7FF] =	sst s2  }
0x7: {  	s4 =	sadd.s32 $0x27AD600, s7;
	s5 =	sadd.s32 $0x5D800, s7;
	s10 =	sor.u32 s6, s31  }
0x8: {  	_ =	strace $0x80000047;
	s11 =	ssub.s32 $0x2, s6;
	s6 =	sadd.s32 $0x5DA00, s7  }
0x9: {  	s3 =	smul.u32 $0x680, s10;
	s12 =	sshrl.u32 s11, $0x1;
	s10 =	sshll.u32 s10, $0x6  }
0xa: {  	s11 =	ssub.s32 s11, s12;
	s9 =	sadd.s32 s9, s10;
	s12 =	simm.s32 $0xA4A0  }
0xb: {  	s8 =	sadd.s32 s3, s7;
	s3 =	sadd.s32 $0xE200, s7;
	s7 =	sadd.s32 $0x5DC00, s7  }
0xc: {  	v0 =	vimm.f32 $0.0e+00;
	s10 =	smax.u32 s11, $0x1;
	s11 =	simm.s32 $0x3;
	s8 =	sadd.s32 $0x1200, s8  }
.LBB2_1:
0xd: {  	[tilespmem:s2], [sflag:$0x3] =	stream.linear.gather [hbm4b:s8+s2], $0x3400, $0x38;
	[tilespmem:$0xA4D0] =	vst v63  }
0xe: {  	_ =	swait.ge [sflag:s11], $0x3400  }
0xf: {  	[sflag:s11] =	ssyncset.done $0x0  }
0x10: {  	[sflag:s11] =	ssyncadd.s32 $0xFFFFCC00  }
0x11: {  	[tilespmem:s12], [sflag:$0x3] =	stream.linear.gather [hbm4b:s5+s2], $0x10, $0x38;
	[tilespmem:$0xA4D0] =	vst v63  }
0x12: {  	_ =	swait.ge [sflag:s11], $0x10  }
0x13: {  	[sflag:s11] =	ssyncset.done $0x0  }
0x14: {  	[sflag:s11] =	ssyncadd.s32 $0xFFFFFFF0  }
0x15: {  	[tilespmem:s13], [sflag:$0x3] =	stream.linear.gather [hbm4b:s6+s2], $0x10, $0x38;
	[tilespmem:$0xA4D0] =	vst v63  }
0x16: {  	_ =	swait.ge [sflag:s11], $0x10  }
0x17: {  	[sflag:s11] =	ssyncset.done $0x0  }
0x18: {  	[sflag:s11] =	ssyncadd.s32 $0xFFFFFFF0  }
0x19: {  	[tilespmem:s14], [sflag:$0x3] =	stream.linear.gather [hbm4b:s7+s2], $0x10, $0x38;
	[tilespmem:$0xA4D0] =	vst v63  }
0x1a: {  	_ =	swait.ge [sflag:s11], $0x10  }
0x1b: {  	[sflag:s11] =	ssyncset.done $0x0  }
0x1c: {  	[sflag:s11] =	ssyncadd.s32 $0xFFFFFFF0  }
0x1d: {  	s21 =	simm.s32 $0xA290;
	s22 =	simm.s32 $0x0;
	[tilespmem:$0xA280] =	vst v0  }
.LBB2_2:
0x1e: {  	s23 =	smul.u32 $0x1A00, s22;
	_ =	sdelay $0x1  }
0x1f: {  	s24 =	sshra.s32 s23, $0x2  }
0x20: {  	[tilespmem:s16], [sflag:$0x1] =	stream.indirect.gather [hbm4b:s4+s15], $0x10, s24, s15, $0xb8;
	[tilespmem:$0xA4D0] =	vst v63  }
0x21: {  	s23 =	simm.s32 $0x9C00  }
0x22: {  	[tilespmem:s23], [sflag:$0x2] =	stream.indirect.gather [hbm4b:s3+s15], $0x1, s24, s15, $0xb8;
	[tilespmem:$0xA4D0] =	vst v63  }
0x23: {  	_ =	swait.ge [sflag:s17], $0x6800  }
0x24: {  	[sflag:s17] =	ssyncset.done $0x0  }
0x25: {  	[sflag:s17] =	ssyncadd.s32 $0xFFFF9800  }
0x26: {  	_ =	swait.ge [sflag:s18], $0x680  }
0x27: {  	[sflag:s18] =	ssyncset.done $0x0  }
0x28: {  	s30 =	simm.s32 $0x34D0;
	[sflag:s18] =	ssyncadd.s32 $0xFFFFF980  }
0x29: {  	v1 =	vld [tilespmem:s30+$0xFFFFFF30]  }
0x2a: {  	v2 =	vld [tilespmem:s30+$0xFFFFFF40];
	_ =	sdelay $0x1  }
0x2b: {  	v3 =	vld [tilespmem:s30+$0xFFFFFF50];
	_ =	sdelay $0x1  }
0x2c: {  	v4 =	vld [tilespmem:s30+$0xFFFFFF60]  }
0x2d: {  	v5 =	vmul.f32 v1, v1;
	v1 =	vadd.f32 v2, v1;
	v2 =	vmul.f32 v2, v2  }
0x2e: {  	v6 =	vld [tilespmem:s30+$0xFFFFFF70]  }
0x2f: {  	v2 =	vadd.f32 v2, v5;
	v1 =	vadd.f32 v3, v1;
	v3 =	vmul.f32 v3, v3  }
0x30: {  	v41 =	vld [tilespmem:s30+$0xFFFFFF80]  }
0x31: {  	v2 =	vadd.f32 v3, v2;
	v1 =	vadd.f32 v4, v1;
	v3 =	vmul.f32 v4, v4  }
0x32: {  	v42 =	vld [tilespmem:s30+$0xFFFFFF90]  }
0x33: {  	v2 =	vadd.f32 v3, v2;
	v1 =	vadd.f32 v6, v1;
	v3 =	vmul.f32 v6, v6  }
0x34: {  	v43 =	vld [tilespmem:s30+$0xFFFFFFA0]  }
0x35: {  	v2 =	vadd.f32 v3, v2;
	v1 =	vadd.f32 v41, v1;
	v3 =	vmul.f32 v41, v41  }
0x36: {  	v44 =	vld [tilespmem:s30+$0xFFFFFFB0]  }
0x37: {  	v2 =	vadd.f32 v3, v2;
	v1 =	vadd.f32 v42, v1;
	v3 =	vmul.f32 v42, v42  }
0x38: {  	v45 =	vld [tilespmem:s30+$0xFFFFFFC0]  }
0x39: {  	v2 =	vadd.f32 v3, v2;
	v1 =	vadd.f32 v43, v1;
	v3 =	vmul.f32 v43, v43  }
0x3a: {  	v46 =	vld [tilespmem:s30+$0xFFFFFFD0]  }
0x3b: {  	v2 =	vadd.f32 v3, v2;
	v1 =	vadd.f32 v44, v1;
	v3 =	vmul.f32 v44, v44  }
0x3c: {  	v47 =	vld [tilespmem:s30+$0xFFFFFFE0]  }
0x3d: {  	v2 =	vadd.f32 v3, v2;
	v1 =	vadd.f32 v45, v1;
	v3 =	vmul.f32 v45, v45  }
0x3e: {  	v48 =	vld [tilespmem:s30+$0xFFFFFFF0]  }
0x3f: {  	v2 =	vadd.f32 v3, v2;
	v1 =	vadd.f32 v46, v1;
	v3 =	vmul.f32 v46, v46  }
0x40: {  	v49 =	vld [tilespmem:s30+$0x0]  }
0x41: {  	v2 =	vadd.f32 v3, v2;
	v1 =	vadd.f32 v47, v1;
	v3 =	vmul.f32 v47, v47  }
0x42: {  	v50 =	vld [tilespmem:s30+$0x10]  }
0x43: {  	v2 =	vadd.f32 v3, v2;
	v1 =	vadd.f32 v48, v1;
	v3 =	vmul.f32 v48, v48  }
0x44: {  	v51 =	vld [tilespmem:s30+$0x20]  }
0x45: {  	v2 =	vadd.f32 v3, v2;
	v1 =	vadd.f32 v49, v1;
	v3 =	vmul.f32 v49, v49  }
0x46: {  	v52 =	vld [tilespmem:s30+$0x30]  }
0x47: {  	v2 =	vadd.f32 v3, v2;
	v1 =	vadd.f32 v50, v1;
	v3 =	vmul.f32 v50, v50  }
0x48: {  	v53 =	vld [tilespmem:s30+$0x40]  }
0x49: {  	v2 =	vadd.f32 v3, v2;
	v1 =	vadd.f32 v51, v1;
	v3 =	vmul.f32 v51, v51  }
0x4a: {  	v54 =	vld [tilespmem:s30+$0x50]  }
0x4b: {  	v2 =	vadd.f32 v3, v2;
	v1 =	vadd.f32 v52, v1;
	v3 =	vmul.f32 v52, v52  }
0x4c: {  	v55 =	vld [tilespmem:s30+$0x60]  }
0x4d: {  	v2 =	vadd.f32 v3, v2;
	v1 =	vadd.f32 v53, v1;
	v3 =	vmul.f32 v53, v53  }
0x4e: {  	v56 =	vld [tilespmem:s30+$0x70]  }
0x4f: {  	v2 =	vadd.f32 v3, v2;
	v1 =	vadd.f32 v54, v1;
	v3 =	vmul.f32 v54, v54  }
0x50: {  	v57 =	vld [tilespmem:s30+$0x80]  }
0x51: {  	v2 =	vadd.f32 v3, v2;
	v1 =	vadd.f32 v55, v1;
	v3 =	vmul.f32 v55, v55  }
0x52: {  	v58 =	vld [tilespmem:s30+$0x90]  }
0x53: {  	v2 =	vadd.f32 v3, v2;
	v1 =	vadd.f32 v56, v1;
	v3 =	vmul.f32 v56, v56  }
0x54: {  	v59 =	vld [tilespmem:s30+$0xA0]  }
0x55: {  	v2 =	vadd.f32 v3, v2;
	v1 =	vadd.f32 v57, v1;
	v3 =	vmul.f32 v57, v57  }
0x56: {  	v60 =	vld [tilespmem:s30+$0xB0]  }
0x57: {  	v2 =	vadd.f32 v3, v2;
	v1 =	vadd.f32 v58, v1;
	v3 =	vmul.f32 v58, v58  }
0x58: {  	v61 =	vld [tilespmem:s30+$0xC0]  }
0x59: {  	v2 =	vadd.f32 v3, v2;
	v1 =	vadd.f32 v59, v1;
	v3 =	vmul.f32 v59, v59;
	_ =	sdelay $0x1  }
0x5a: {  	v2 =	vadd.f32 v3, v2;
	v1 =	vadd.f32 v60, v1;
	v3 =	vmul.f32 v60, v60;
	_ =	sdelay $0x1  }
0x5b: {  	s31 =	simm.s32 $0x10;
	s25 =	simm.s32 $0x0;
	v2 =	vadd.f32 v3, v2;
	v1 =	vadd.f32 v61, v1;
	v3 =	vmul.f32 v61, v61  }
0x5c: {  	s25 =	sand.u32 $0x6, s25;
	s24 =	sand.u32 $0xFF8, s31;
	v62 =	vld [tilespmem:s23+$0x0]  }
0x5d: {  	s24 =	sor.u32 s25, s24;
	v63 =	vld [tilespmem:$0xA4C0];
	v2 =	vadd.f32 v3, v2;
	v1 =	vmul.f32 v1, v1  }
0x5e: {  	v3 =	vld [tilespmem:s24+$0x9C00]  }
0x5f: {  	v1 =	vsub.f32 v1, v2;
	_ =	sdelay $0x1  }
0x60: {  	v1 =	vmul.f32 $5.000000000e-01, v1;
	_ =	sdelay $0x1  }
0x61: {  	v2 =	vmul.f32 v63, v3;
	v1 =	vadd.f32 v1, v62;
	_ =	sdelay $0x1  }
0x62: {  	v1 =	vadd.f32 v1, v2;
	_ =	sdelay $0x1  }
0x63: {  	(xrf2) =	vadd.scan.msk.f32 $0xffff, v1;
	_ =	sdelay $0x4  }
0x64: {  	v1 =	vld [tilespmem:$0xA4B0];
	_ =	sdelay $0x4  }
0x65: {  	vm0 =	veq.s32 v1, $0xF;
	v1, _, _ =	vpop (xrf2)  }
0x66: {  	s26 =	simm.s32 $0x3670;
	[tilespmem:s21+$0x0] =	vst.msk vm0, v1  }
0x67: {  	v1 =	vld [tilespmem:s26+$0xFFFFFF30]  }
0x68: {  	s28 =	simm.s32 $0x44;
	s25 =	simm.s32 $0x2A;
	s24 =	smov.u32 s21;
	v2 =	vld [tilespmem:s26+$0xFFFFFF40]  }
.LBB2_3:
0x69: {  	p0 =	sne.s32 s28, $0x676  }
0x6a: {  	v3 =	vld [tilespmem:s26+$0xFFFFFF50];
	_ =	sdelay $0x1  }
0x6b: {  	v4 =	vld [tilespmem:s26+$0xFFFFFF60]  }
0x6c: {  	v5 =	vmul.f32 v1, v1;
	v1 =	vadd.f32 v2, v1;
	v2 =	vmul.f32 v2, v2  }
0x6d: {  	v6 =	vld [tilespmem:s26+$0xFFFFFF70]  }
0x6e: {  	v2 =	vadd.f32 v2, v5;
	v1 =	vadd.f32 v3, v1;
	v3 =	vmul.f32 v3, v3  }
0x6f: {  	v5 =	vld [tilespmem:s26+$0xFFFFFF80]  }
0x70: {  	v2 =	vadd.f32 v3, v2;
	v1 =	vadd.f32 v4, v1;
	v3 =	vmul.f32 v4, v4  }
0x71: {  	v4 =	vld [tilespmem:s26+$0xFFFFFF90]  }
0x72: {  	v2 =	vadd.f32 v3, v2;
	v1 =	vadd.f32 v6, v1;
	v3 =	vmul.f32 v6, v6  }
0x73: {  	v6 =	vld [tilespmem:s26+$0xFFFFFFA0]  }
0x74: {  	v2 =	vadd.f32 v3, v2;
	v1 =	vadd.f32 v5, v1;
	v3 =	vmul.f32 v5, v5  }
0x75: {  	v5 =	vld [tilespmem:s26+$0xFFFFFFB0]  }
0x76: {  	v2 =	vadd.f32 v3, v2;
	v1 =	vadd.f32 v4, v1;
	v3 =	vmul.f32 v4, v4  }
0x77: {  	v4 =	vld [tilespmem:s26+$0xFFFFFFC0]  }
0x78: {  	v2 =	vadd.f32 v3, v2;
	v1 =	vadd.f32 v6, v1;
	v3 =	vmul.f32 v6, v6  }
0x79: {  	v6 =	vld [tilespmem:s26+$0xFFFFFFD0]  }
0x7a: {  	v2 =	vadd.f32 v3, v2;
	v1 =	vadd.f32 v5, v1;
	v3 =	vmul.f32 v5, v5  }
0x7b: {  	v5 =	vld [tilespmem:s26+$0xFFFFFFE0]  }
0x7c: {  	v2 =	vadd.f32 v3, v2;
	v1 =	vadd.f32 v4, v1;
	v3 =	vmul.f32 v4, v4  }
0x7d: {  	v4 =	vld [tilespmem:s26+$0xFFFFFFF0]  }
0x7e: {  	v2 =	vadd.f32 v3, v2;
	v1 =	vadd.f32 v6, v1;
	v3 =	vmul.f32 v6, v6  }
0x7f: {  	v6 =	vld [tilespmem:s26+$0x0]  }
0x80: {  	v2 =	vadd.f32 v3, v2;
	v1 =	vadd.f32 v5, v1;
	v3 =	vmul.f32 v5, v5  }
0x81: {  	v5 =	vld [tilespmem:s26+$0x10]  }
0x82: {  	v2 =	vadd.f32 v3, v2;
	v1 =	vadd.f32 v4, v1;
	v3 =	vmul.f32 v4, v4  }
0x83: {  	v4 =	vld [tilespmem:s26+$0x20]  }
0x84: {  	v2 =	vadd.f32 v3, v2;
	v1 =	vadd.f32 v6, v1;
	v3 =	vmul.f32 v6, v6  }
0x85: {  	v6 =	vld [tilespmem:s26+$0x30]  }
0x86: {  	v2 =	vadd.f32 v3, v2;
	v1 =	vadd.f32 v5, v1;
	v3 =	vmul.f32 v5, v5  }
0x87: {  	v5 =	vld [tilespmem:s26+$0x40]  }
0x88: {  	v2 =	vadd.f32 v3, v2;
	v1 =	vadd.f32 v4, v1;
	v3 =	vmul.f32 v4, v4  }
0x89: {  	v4 =	vld [tilespmem:s26+$0x50]  }
0x8a: {  	v2 =	vadd.f32 v3, v2;
	v1 =	vadd.f32 v6, v1;
	v3 =	vmul.f32 v6, v6  }
0x8b: {  	v6 =	vld [tilespmem:s26+$0x60]  }
0x8c: {  	v2 =	vadd.f32 v3, v2;
	v1 =	vadd.f32 v5, v1;
	v3 =	vmul.f32 v5, v5  }
0x8d: {  	v5 =	vld [tilespmem:s26+$0x70]  }
0x8e: {  	v2 =	vadd.f32 v3, v2;
	v1 =	vadd.f32 v4, v1;
	v3 =	vmul.f32 v4, v4  }
0x8f: {  	v4 =	vld [tilespmem:s26+$0x80]  }
0x90: {  	v2 =	vadd.f32 v3, v2;
	v1 =	vadd.f32 v6, v1;
	v3 =	vmul.f32 v6, v6  }
0x91: {  	v6 =	vld [tilespmem:s26+$0x90]  }
0x92: {  	v2 =	vadd.f32 v3, v2;
	v1 =	vadd.f32 v5, v1;
	v3 =	vmul.f32 v5, v5  }
0x93: {  	v5 =	vld [tilespmem:s26+$0xA0]  }
0x94: {  	v2 =	vadd.f32 v3, v2;
	v1 =	vadd.f32 v4, v1;
	v3 =	vmul.f32 v4, v4  }
0x95: {  	v4 =	vld [tilespmem:s26+$0xB0]  }
0x96: {  	v2 =	vadd.f32 v3, v2;
	v1 =	vadd.f32 v6, v1;
	v3 =	vmul.f32 v6, v6  }
0x97: {  	v6 =	vld [tilespmem:s26+$0xC0]  }
0x98: {  	v2 =	vadd.f32 v3, v2;
	v1 =	vadd.f32 v5, v1;
	v3 =	vmul.f32 v5, v5;
	_ =	sdelay $0x1  }
0x99: {  	v2 =	vadd.f32 v3, v2;
	v1 =	vadd.f32 v4, v1;
	v3 =	vmul.f32 v4, v4  }
0x9a: {  	s29 =	sadd.s32 $0xFFFFFFF0, s25  }
0x9b: {  	s25 =	sand.u32 $0xFF8, s25;
	s23 =	sadd.s32 $0x1A, s23;
	s29 =	sand.u32 $0x6, s29;
	v2 =	vadd.f32 v3, v2;
	v1 =	vadd.f32 v6, v1;
	v3 =	vmul.f32 v6, v6  }
0x9c: {  	s29 =	sor.u32 s29, s25;
	s25 =	smov.u32 s28;
	v4 =	vld [tilespmem:s23+$0x0]  }
0x9d: {  	v2 =	vadd.f32 v3, v2;
	v3 =	vld [tilespmem:s29+$0x9C00];
	v1 =	vmul.f32 v1, v1  }
0x9e: {  	v5 =	vld [tilespmem:$0xA4C0]  }
0x9f: {  	v1 =	vsub.f32 v1, v2;
	_ =	sdelay $0x1  }
0xa0: {  	v1 =	vmul.f32 $5.000000000e-01, v1;
	_ =	sdelay $0x1  }
0xa1: {  	v1 =	vadd.f32 v1, v4;
	v2 =	vmul.f32 v5, v3;
	_ =	sdelay $0x1  }
0xa2: {  	v1 =	vadd.f32 v1, v2;
	_ =	sdelay $0x1  }
0xa3: {  	(xrf2) =	vadd.scan.msk.f32 $0xffff, v1;
	_ =	sdelay $0x4  }
0xa4: {  	v1 =	vld [tilespmem:$0xA4B0];
	_ =	sdelay $0x3  }
.Ltmp0:
0xa5: {  	(pc) =	sbr.rel @p0 .LBB2_3-.Ltmp0, $4  }
0xa6: {  	s24 =	sadd.s32 $0x1, s24;
	vm0 =	veq.s32 v1, $0xF;
	v1, _, _ =	vpop (xrf2)  }
0xa7: {  	s26 =	sadd.s32 $0x1A0, s26;
	[tilespmem:s24+$0x0] =	vst.msk vm0, v1  }
0xa8: {  	v1 =	vld [tilespmem:s26+$0xFFFFFF30]  }
0xa9: {  	s28 =	sadd.s32 $0x1A, s28;
	v2 =	vld [tilespmem:s26+$0xFFFFFF40]  }
0xaa: {  	_ = 	snop  }
0xab: {  	v3 =	vld [tilespmem:s26+$0xFFFFFF50];
	_ =	sdelay $0x1  }
0xac: {  	v4 =	vld [tilespmem:s26+$0xFFFFFF60]  }
0xad: {  	v5 =	vmul.f32 v1, v1;
	v1 =	vadd.f32 v2, v1;
	v2 =	vmul.f32 v2, v2  }
0xae: {  	v6 =	vld [tilespmem:s26+$0xFFFFFF70]  }
0xaf: {  	v2 =	vadd.f32 v2, v5;
	v1 =	vadd.f32 v3, v1;
	v3 =	vmul.f32 v3, v3  }
0xb0: {  	v41 =	vld [tilespmem:s26+$0xFFFFFF80]  }
0xb1: {  	v2 =	vadd.f32 v3, v2;
	v1 =	vadd.f32 v4, v1;
	v3 =	vmul.f32 v4, v4  }
0xb2: {  	v42 =	vld [tilespmem:s26+$0xFFFFFF90]  }
0xb3: {  	v2 =	vadd.f32 v3, v2;
	v1 =	vadd.f32 v6, v1;
	v3 =	vmul.f32 v6, v6  }
0xb4: {  	v43 =	vld [tilespmem:s26+$0xFFFFFFA0]  }
0xb5: {  	v2 =	vadd.f32 v3, v2;
	v1 =	vadd.f32 v41, v1;
	v3 =	vmul.f32 v41, v41  }
0xb6: {  	v44 =	vld [tilespmem:s26+$0xFFFFFFB0]  }
0xb7: {  	v2 =	vadd.f32 v3, v2;
	v1 =	vadd.f32 v42, v1;
	v3 =	vmul.f32 v42, v42  }
0xb8: {  	v45 =	vld [tilespmem:s26+$0xFFFFFFC0]  }
0xb9: {  	v2 =	vadd.f32 v3, v2;
	v1 =	vadd.f32 v43, v1;
	v3 =	vmul.f32 v43, v43  }
0xba: {  	v46 =	vld [tilespmem:s26+$0xFFFFFFD0]  }
0xbb: {  	v2 =	vadd.f32 v3, v2;
	v1 =	vadd.f32 v44, v1;
	v3 =	vmul.f32 v44, v44  }
0xbc: {  	v47 =	vld [tilespmem:s26+$0xFFFFFFE0]  }
0xbd: {  	v2 =	vadd.f32 v3, v2;
	v1 =	vadd.f32 v45, v1;
	v3 =	vmul.f32 v45, v45  }
0xbe: {  	v48 =	vld [tilespmem:s26+$0xFFFFFFF0]  }
0xbf: {  	v2 =	vadd.f32 v3, v2;
	v1 =	vadd.f32 v46, v1;
	v3 =	vmul.f32 v46, v46  }
0xc0: {  	v49 =	vld [tilespmem:s26+$0x0]  }
0xc1: {  	v2 =	vadd.f32 v3, v2;
	v1 =	vadd.f32 v47, v1;
	v3 =	vmul.f32 v47, v47  }
0xc2: {  	v50 =	vld [tilespmem:s26+$0x10]  }
0xc3: {  	v2 =	vadd.f32 v3, v2;
	v1 =	vadd.f32 v48, v1;
	v3 =	vmul.f32 v48, v48  }
0xc4: {  	v51 =	vld [tilespmem:s26+$0x20]  }
0xc5: {  	v2 =	vadd.f32 v3, v2;
	v1 =	vadd.f32 v49, v1;
	v3 =	vmul.f32 v49, v49  }
0xc6: {  	v52 =	vld [tilespmem:s26+$0x30]  }
0xc7: {  	v2 =	vadd.f32 v3, v2;
	v1 =	vadd.f32 v50, v1;
	v3 =	vmul.f32 v50, v50  }
0xc8: {  	v53 =	vld [tilespmem:s26+$0x40]  }
0xc9: {  	v2 =	vadd.f32 v3, v2;
	v1 =	vadd.f32 v51, v1;
	v3 =	vmul.f32 v51, v51  }
0xca: {  	v54 =	vld [tilespmem:s26+$0x50]  }
0xcb: {  	v2 =	vadd.f32 v3, v2;
	v1 =	vadd.f32 v52, v1;
	v3 =	vmul.f32 v52, v52  }
0xcc: {  	v55 =	vld [tilespmem:s26+$0x60]  }
0xcd: {  	v2 =	vadd.f32 v3, v2;
	v1 =	vadd.f32 v53, v1;
	v3 =	vmul.f32 v53, v53  }
0xce: {  	v56 =	vld [tilespmem:s26+$0x70]  }
0xcf: {  	v2 =	vadd.f32 v3, v2;
	v1 =	vadd.f32 v54, v1;
	v3 =	vmul.f32 v54, v54  }
0xd0: {  	v57 =	vld [tilespmem:s26+$0x80]  }
0xd1: {  	v2 =	vadd.f32 v3, v2;
	v1 =	vadd.f32 v55, v1;
	v3 =	vmul.f32 v55, v55  }
0xd2: {  	v58 =	vld [tilespmem:s26+$0x90]  }
0xd3: {  	v2 =	vadd.f32 v3, v2;
	v1 =	vadd.f32 v56, v1;
	v3 =	vmul.f32 v56, v56  }
0xd4: {  	v59 =	vld [tilespmem:s26+$0xA0]  }
0xd5: {  	v2 =	vadd.f32 v3, v2;
	v1 =	vadd.f32 v57, v1;
	v3 =	vmul.f32 v57, v57  }
0xd6: {  	v60 =	vld [tilespmem:s26+$0xB0]  }
0xd7: {  	v2 =	vadd.f32 v3, v2;
	v1 =	vadd.f32 v58, v1;
	v3 =	vmul.f32 v58, v58  }
0xd8: {  	v61 =	vld [tilespmem:s26+$0xC0]  }
0xd9: {  	v2 =	vadd.f32 v3, v2;
	v1 =	vadd.f32 v59, v1;
	v3 =	vmul.f32 v59, v59;
	_ =	sdelay $0x1  }
0xda: {  	v2 =	vadd.f32 v3, v2;
	v1 =	vadd.f32 v60, v1;
	v3 =	vmul.f32 v60, v60;
	_ =	sdelay $0x1  }
0xdb: {  	s28 =	sadd.s32 $0xFFFFFFF0, s25;
	v2 =	vadd.f32 v3, v2;
	v1 =	vadd.f32 v61, v1;
	v3 =	vmul.f32 v61, v61  }
0xdc: {  	s29 =	sand.u32 $0xFF8, s25;
	s23 =	sadd.s32 $0x1A, s23;
	v63 =	vld [tilespmem:$0xA4C0];
	s26 =	sand.u32 $0x6, s28  }
0xdd: {  	v62 =	vld [tilespmem:s23+$0x0];
	s30 =	sor.u32 s26, s29;
	v2 =	vadd.f32 v3, v2;
	v1 =	vmul.f32 v1, v1  }
0xde: {  	v3 =	vld [tilespmem:s30+$0x9C00]  }
0xdf: {  	v1 =	vsub.f32 v1, v2;
	_ =	sdelay $0x1  }
0xe0: {  	v1 =	vmul.f32 $5.000000000e-01, v1;
	_ =	sdelay $0x1  }
0xe1: {  	v2 =	vmul.f32 v63, v3;
	v1 =	vadd.f32 v1, v62;
	_ =	sdelay $0x1  }
0xe2: {  	v1 =	vadd.f32 v1, v2;
	_ =	sdelay $0x1  }
0xe3: {  	(xrf2) =	vadd.scan.msk.f32 $0xffff, v1;
	_ =	sdelay $0x4  }
0xe4: {  	s22 =	sadd.s32 $0x1, s22;
	v1 =	vld [tilespmem:$0xA4B0]  }
0xe5: {  	p0 =	sne.s32 s22, $0x8  }
.Ltmp1:
0xe6: {  	_ = 	snop;
	(pc) =	sbr.rel @p0 .LBB2_2-.Ltmp1, $3  }
0xe7: {  	_ =	sdelay $0x1  }
0xe8: {  	s31 =	sadd.s32 $0x1, s24;
	vm0 =	veq.s32 v1, $0xF;
	v1, _, _ =	vpop (xrf2)  }
0xe9: {  	s21 =	sadd.s32 $0x40, s21;
	[tilespmem:s31+$0x0] =	vst.msk vm0, v1  }
0xea: {  	v1 =	vld [tilespmem:$0xA4A0]  }
0xeb: {  	v2 =	vld [tilespmem:$0xA290];
	_ =	sdelay $0x4  }
0xec: {  	v2 =	vadd.f32 v2, v1;
	_ =	sdelay $0x1  }
0xed: {  	v2 =	vsub.f32 $0.0e+00, v2;
	_ =	sdelay $0x1  }
0xee: {  	v2 =	vmul.f32 $1.442695020e+00, v2;
	_ =	sdelay $0x1  }
0xef: {  	(erf) = vpow2.f32 v2;
	_ =	sdelay $0x1  }
0xf0: {  	v2 =	vld [tilespmem:$0xA2A0];
	_ =	sdelay $0x4  }
0xf1: {  	v2 =	vadd.f32 v2, v1;
	_ =	sdelay $0x1  }
0xf2: {  	v2 =	vsub.f32 $0.0e+00, v2;
	v3 =	vpop (erf)  }
0xf3: {  	v3 =	vadd.f32 $1.000000000e+00, v3  }
0xf4: {  	v2 =	vmul.f32 $1.442695020e+00, v2  }
0xf5: {  	(erf) = vrcp.f32 v3  }
0xf6: {  	(erf) = vpow2.f32 v2;
	_ =	sdelay $0x1  }
0xf7: {  	v2 =	vld [tilespmem:$0xA2B0];
	_ =	sdelay $0x4  }
0xf8: {  	v3 =	vadd.f32 v2, v1  }
0xf9: {  	v2 =	vpop (erf)  }
0xfa: {  	v3 =	vsub.f32 $0.0e+00, v3;
	v4 =	vpop (erf)  }
0xfb: {  	v4 =	vadd.f32 $1.000000000e+00, v4  }
0xfc: {  	v3 =	vmul.f32 $1.442695020e+00, v3  }
0xfd: {  	(erf) = vrcp.f32 v4  }
0xfe: {  	(erf) = vpow2.f32 v3;
	_ =	sdelay $0x1  }
0xff: {  	v3 =	vld [tilespmem:$0xA2C0];
	_ =	sdelay $0x4  }
0x100: {  	v13 =	vadd.f32 v3, v1  }
0x101: {  	v3 =	vpop (erf)  }
0x102: {  	v4 =	vsub.f32 $0.0e+00, v13;
	v5 =	vpop (erf)  }
0x103: {  	v5 =	vadd.f32 $1.000000000e+00, v5  }
0x104: {  	v4 =	vmul.f32 $1.442695020e+00, v4  }
0x105: {  	(erf) = vrcp.f32 v5  }
0x106: {  	(erf) = vpow2.f32 v4;
	_ =	sdelay $0x1  }
0x107: {  	v14 =	vld [tilespmem:$0xA2D0];
	_ =	sdelay $0x4  }
0x108: {  	v15 =	vadd.f32 v14, v1  }
0x109: {  	v4 =	vpop (erf)  }
0x10a: {  	v5 =	vsub.f32 $0.0e+00, v15;
	v6 =	vpop (erf)  }
0x10b: {  	v6 =	vadd.f32 $1.000000000e+00, v6  }
0x10c: {  	v5 =	vmul.f32 $1.442695020e+00, v5  }
0x10d: {  	(erf) = vrcp.f32 v6  }
0x10e: {  	(erf) = vpow2.f32 v5;
	_ =	sdelay $0x1  }
0x10f: {  	v16 =	vld [tilespmem:$0xA2E0];
	_ =	sdelay $0x4  }
0x110: {  	v17 =	vadd.f32 v16, v1  }
0x111: {  	v5 =	vpop (erf)  }
0x112: {  	v6 =	vsub.f32 $0.0e+00, v17;
	v7 =	vpop (erf)  }
0x113: {  	v7 =	vadd.f32 $1.000000000e+00, v7  }
0x114: {  	v6 =	vmul.f32 $1.442695020e+00, v6  }
0x115: {  	(erf) = vrcp.f32 v7  }
0x116: {  	(erf) = vpow2.f32 v6;
	_ =	sdelay $0x1  }
0x117: {  	v18 =	vld [tilespmem:$0xA2F0];
	_ =	sdelay $0x4  }
0x118: {  	v19 =	vadd.f32 v18, v1  }
0x119: {  	v6 =	vpop (erf)  }
0x11a: {  	v7 =	vsub.f32 $0.0e+00, v19;
	v8 =	vpop (erf)  }
0x11b: {  	v8 =	vadd.f32 $1.000000000e+00, v8  }
0x11c: {  	v7 =	vmul.f32 $1.442695020e+00, v7  }
0x11d: {  	(erf) = vrcp.f32 v8  }
0x11e: {  	(erf) = vpow2.f32 v7;
	_ =	sdelay $0x1  }
0x11f: {  	v20 =	vld [tilespmem:$0xA300];
	_ =	sdelay $0x4  }
0x120: {  	v21 =	vadd.f32 v20, v1  }
0x121: {  	v7 =	vpop (erf)  }
0x122: {  	v8 =	vsub.f32 $0.0e+00, v21;
	v9 =	vpop (erf)  }
0x123: {  	v9 =	vadd.f32 $1.000000000e+00, v9  }
0x124: {  	v8 =	vmul.f32 $1.442695020e+00, v8  }
0x125: {  	(erf) = vrcp.f32 v9  }
0x126: {  	(erf) = vpow2.f32 v8;
	_ =	sdelay $0x1  }
0x127: {  	v22 =	vld [tilespmem:$0xA310];
	_ =	sdelay $0x4  }
0x128: {  	v23 =	vadd.f32 v22, v1  }
0x129: {  	v8 =	vpop (erf)  }
0x12a: {  	v9 =	vsub.f32 $0.0e+00, v23;
	v10 =	vpop (erf)  }
0x12b: {  	v10 =	vadd.f32 $1.000000000e+00, v10  }
0x12c: {  	v9 =	vmul.f32 $1.442695020e+00, v9  }
0x12d: {  	(erf) = vrcp.f32 v10  }
0x12e: {  	(erf) = vpow2.f32 v9;
	_ =	sdelay $0x1  }
0x12f: {  	v24 =	vld [tilespmem:$0xA320];
	_ =	sdelay $0x4  }
0x130: {  	v25 =	vadd.f32 v24, v1  }
0x131: {  	v9 =	vpop (erf)  }
0x132: {  	v10 =	vsub.f32 $0.0e+00, v25;
	v11 =	vpop (erf)  }
0x133: {  	v11 =	vadd.f32 $1.000000000e+00, v11  }
0x134: {  	v10 =	vmul.f32 $1.442695020e+00, v10  }
0x135: {  	(erf) = vrcp.f32 v11  }
0x136: {  	(erf) = vpow2.f32 v10;
	_ =	sdelay $0x1  }
0x137: {  	v26 =	vld [tilespmem:$0xA330];
	_ =	sdelay $0x4  }
0x138: {  	v27 =	vadd.f32 v26, v1  }
0x139: {  	v10 =	vpop (erf)  }
0x13a: {  	v11 =	vsub.f32 $0.0e+00, v27;
	v12 =	vpop (erf)  }
0x13b: {  	v12 =	vadd.f32 $1.000000000e+00, v12  }
0x13c: {  	v11 =	vmul.f32 $1.442695020e+00, v11  }
0x13d: {  	(erf) = vrcp.f32 v12  }
0x13e: {  	(erf) = vpow2.f32 v11;
	_ =	sdelay $0x1  }
0x13f: {  	v28 =	vld [tilespmem:$0xA340];
	_ =	sdelay $0x4  }
0x140: {  	v29 =	vadd.f32 v28, v1  }
0x141: {  	v11 =	vpop (erf)  }
0x142: {  	v12 =	vsub.f32 $0.0e+00, v29;
	v13 =	vpop (erf)  }
0x143: {  	v13 =	vadd.f32 $1.000000000e+00, v13  }
0x144: {  	v12 =	vmul.f32 $1.442695020e+00, v12  }
0x145: {  	(erf) = vrcp.f32 v13  }
0x146: {  	(erf) = vpow2.f32 v12;
	_ =	sdelay $0x1  }
0x147: {  	v30 =	vld [tilespmem:$0xA350];
	_ =	sdelay $0x4  }
0x148: {  	v31 =	vadd.f32 v30, v1  }
0x149: {  	v12 =	vpop (erf)  }
0x14a: {  	v13 =	vsub.f32 $0.0e+00, v31;
	v14 =	vpop (erf)  }
0x14b: {  	v14 =	vadd.f32 $1.000000000e+00, v14  }
0x14c: {  	v13 =	vmul.f32 $1.442695020e+00, v13  }
0x14d: {  	(erf) = vrcp.f32 v14  }
0x14e: {  	(erf) = vpow2.f32 v13;
	_ =	sdelay $0x1  }
0x14f: {  	v32 =	vld [tilespmem:$0xA360];
	_ =	sdelay $0x4  }
0x150: {  	v33 =	vadd.f32 v32, v1  }
0x151: {  	v13 =	vpop (erf)  }
0x152: {  	v14 =	vsub.f32 $0.0e+00, v33;
	v15 =	vpop (erf)  }
0x153: {  	v15 =	vadd.f32 $1.000000000e+00, v15  }
0x154: {  	v14 =	vmul.f32 $1.442695020e+00, v14  }
0x155: {  	(erf) = vrcp.f32 v15  }
0x156: {  	(erf) = vpow2.f32 v14;
	_ =	sdelay $0x1  }
0x157: {  	v34 =	vld [tilespmem:$0xA370];
	_ =	sdelay $0x4  }
0x158: {  	v35 =	vadd.f32 v34, v1  }
0x159: {  	v36 =	vpop (erf)  }
0x15a: {  	v15 =	vsub.f32 $0.0e+00, v35;
	v16 =	vpop (erf)  }
0x15b: {  	v16 =	vadd.f32 $1.000000000e+00, v16  }
0x15c: {  	v15 =	vmul.f32 $1.442695020e+00, v15  }
0x15d: {  	(erf) = vrcp.f32 v16  }
0x15e: {  	(erf) = vpow2.f32 v15;
	_ =	sdelay $0x1  }
0x15f: {  	v37 =	vld [tilespmem:$0xA380];
	_ =	sdelay $0x4  }
0x160: {  	v38 =	vadd.f32 v37, v1  }
0x161: {  	v39 =	vpop (erf)  }
0x162: {  	v16 =	vsub.f32 $0.0e+00, v38;
	v17 =	vpop (erf)  }
0x163: {  	v17 =	vadd.f32 $1.000000000e+00, v17  }
0x164: {  	v16 =	vmul.f32 $1.442695020e+00, v16  }
0x165: {  	(erf) = vrcp.f32 v17  }
0x166: {  	(erf) = vpow2.f32 v16;
	_ =	sdelay $0x1  }
0x167: {  	v40 =	vld [tilespmem:$0xA390];
	_ =	sdelay $0x4  }
0x168: {  	v41 =	vadd.f32 v40, v1  }
0x169: {  	v42 =	vpop (erf)  }
0x16a: {  	v17 =	vsub.f32 $0.0e+00, v41;
	v18 =	vpop (erf)  }
0x16b: {  	v18 =	vadd.f32 $1.000000000e+00, v18  }
0x16c: {  	v17 =	vmul.f32 $1.442695020e+00, v17  }
0x16d: {  	(erf) = vrcp.f32 v18  }
0x16e: {  	(erf) = vpow2.f32 v17;
	_ =	sdelay $0x1  }
0x16f: {  	v43 =	vld [tilespmem:$0xA3A0];
	_ =	sdelay $0x4  }
0x170: {  	v44 =	vadd.f32 v43, v1  }
0x171: {  	v45 =	vpop (erf)  }
0x172: {  	v18 =	vsub.f32 $0.0e+00, v44;
	v19 =	vpop (erf)  }
0x173: {  	v19 =	vadd.f32 $1.000000000e+00, v19  }
0x174: {  	v18 =	vmul.f32 $1.442695020e+00, v18  }
0x175: {  	(erf) = vrcp.f32 v19  }
0x176: {  	(erf) = vpow2.f32 v18;
	_ =	sdelay $0x1  }
0x177: {  	v46 =	vld [tilespmem:$0xA3B0];
	_ =	sdelay $0x4  }
0x178: {  	v47 =	vadd.f32 v46, v1  }
0x179: {  	v48 =	vpop (erf)  }
0x17a: {  	v19 =	vsub.f32 $0.0e+00, v47;
	v20 =	vpop (erf)  }
0x17b: {  	v20 =	vadd.f32 $1.000000000e+00, v20  }
0x17c: {  	v19 =	vmul.f32 $1.442695020e+00, v19  }
0x17d: {  	(erf) = vrcp.f32 v20  }
0x17e: {  	(erf) = vpow2.f32 v19;
	_ =	sdelay $0x1  }
0x17f: {  	v49 =	vld [tilespmem:$0xA3C0];
	_ =	sdelay $0x4  }
0x180: {  	v50 =	vadd.f32 v49, v1  }
0x181: {  	v51 =	vpop (erf)  }
0x182: {  	v20 =	vsub.f32 $0.0e+00, v50;
	v21 =	vpop (erf)  }
0x183: {  	v21 =	vadd.f32 $1.000000000e+00, v21  }
0x184: {  	v20 =	vmul.f32 $1.442695020e+00, v20  }
0x185: {  	(erf) = vrcp.f32 v21  }
0x186: {  	(erf) = vpow2.f32 v20;
	_ =	sdelay $0x1  }
0x187: {  	v52 =	vld [tilespmem:$0xA3D0];
	_ =	sdelay $0x4  }
0x188: {  	v20 =	vadd.f32 v52, v1  }
0x189: {  	v21 =	vpop (erf)  }
0x18a: {  	v20 =	vsub.f32 $0.0e+00, v20;
	v22 =	vpop (erf)  }
0x18b: {  	v22 =	vadd.f32 $1.000000000e+00, v22  }
0x18c: {  	v20 =	vmul.f32 $1.442695020e+00, v20  }
0x18d: {  	(erf) = vrcp.f32 v22  }
0x18e: {  	(erf) = vpow2.f32 v20;
	_ =	sdelay $0x1  }
0x18f: {  	v53 =	vld [tilespmem:$0xA3E0];
	_ =	sdelay $0x4  }
0x190: {  	v20 =	vadd.f32 v53, v1  }
0x191: {  	v22 =	vpop (erf)  }
0x192: {  	v20 =	vsub.f32 $0.0e+00, v20;
	v23 =	vpop (erf)  }
0x193: {  	v23 =	vadd.f32 $1.000000000e+00, v23  }
0x194: {  	v20 =	vmul.f32 $1.442695020e+00, v20  }
0x195: {  	(erf) = vrcp.f32 v23  }
0x196: {  	(erf) = vpow2.f32 v20;
	_ =	sdelay $0x1  }
0x197: {  	v54 =	vld [tilespmem:$0xA3F0];
	_ =	sdelay $0x4  }
0x198: {  	v20 =	vadd.f32 v54, v1  }
0x199: {  	v23 =	vpop (erf)  }
0x19a: {  	v20 =	vsub.f32 $0.0e+00, v20;
	v24 =	vpop (erf)  }
0x19b: {  	v24 =	vadd.f32 $1.000000000e+00, v24  }
0x19c: {  	v20 =	vmul.f32 $1.442695020e+00, v20  }
0x19d: {  	(erf) = vrcp.f32 v24  }
0x19e: {  	(erf) = vpow2.f32 v20;
	_ =	sdelay $0x1  }
0x19f: {  	v55 =	vld [tilespmem:$0xA400];
	_ =	sdelay $0x4  }
0x1a0: {  	v20 =	vadd.f32 v55, v1  }
0x1a1: {  	v24 =	vpop (erf)  }
0x1a2: {  	v20 =	vsub.f32 $0.0e+00, v20;
	v25 =	vpop (erf)  }
0x1a3: {  	v25 =	vadd.f32 $1.000000000e+00, v25  }
0x1a4: {  	v20 =	vmul.f32 $1.442695020e+00, v20  }
0x1a5: {  	(erf) = vrcp.f32 v25  }
0x1a6: {  	(erf) = vpow2.f32 v20;
	_ =	sdelay $0x1  }
0x1a7: {  	v56 =	vld [tilespmem:$0xA410];
	_ =	sdelay $0x4  }
0x1a8: {  	v20 =	vadd.f32 v56, v1  }
0x1a9: {  	v25 =	vpop (erf)  }
0x1aa: {  	v20 =	vsub.f32 $0.0e+00, v20;
	v26 =	vpop (erf)  }
0x1ab: {  	v26 =	vadd.f32 $1.000000000e+00, v26  }
0x1ac: {  	v20 =	vmul.f32 $1.442695020e+00, v20  }
0x1ad: {  	(erf) = vrcp.f32 v26  }
0x1ae: {  	(erf) = vpow2.f32 v20;
	_ =	sdelay $0x1  }
0x1af: {  	v57 =	vld [tilespmem:$0xA420];
	_ =	sdelay $0x4  }
0x1b0: {  	v20 =	vadd.f32 v57, v1  }
0x1b1: {  	v26 =	vpop (erf)  }
0x1b2: {  	v20 =	vsub.f32 $0.0e+00, v20;
	v27 =	vpop (erf)  }
0x1b3: {  	v27 =	vadd.f32 $1.000000000e+00, v27  }
0x1b4: {  	v20 =	vmul.f32 $1.442695020e+00, v20  }
0x1b5: {  	(erf) = vrcp.f32 v27  }
0x1b6: {  	(erf) = vpow2.f32 v20;
	_ =	sdelay $0x1  }
0x1b7: {  	v58 =	vld [tilespmem:$0xA430];
	_ =	sdelay $0x4  }
0x1b8: {  	v20 =	vadd.f32 v58, v1  }
0x1b9: {  	v27 =	vpop (erf)  }
0x1ba: {  	v20 =	vsub.f32 $0.0e+00, v20;
	v28 =	vpop (erf)  }
0x1bb: {  	v28 =	vadd.f32 $1.000000000e+00, v28  }
0x1bc: {  	v20 =	vmul.f32 $1.442695020e+00, v20  }
0x1bd: {  	(erf) = vrcp.f32 v28  }
0x1be: {  	(erf) = vpow2.f32 v20;
	_ =	sdelay $0x1  }
0x1bf: {  	v59 =	vld [tilespmem:$0xA440];
	_ =	sdelay $0x4  }
0x1c0: {  	v20 =	vadd.f32 v59, v1  }
0x1c1: {  	v28 =	vpop (erf)  }
0x1c2: {  	v20 =	vsub.f32 $0.0e+00, v20;
	v29 =	vpop (erf)  }
0x1c3: {  	v29 =	vadd.f32 $1.000000000e+00, v29  }
0x1c4: {  	v20 =	vmul.f32 $1.442695020e+00, v20  }
0x1c5: {  	(erf) = vrcp.f32 v29  }
0x1c6: {  	(erf) = vpow2.f32 v20;
	_ =	sdelay $0x1  }
0x1c7: {  	v60 =	vld [tilespmem:$0xA450];
	_ =	sdelay $0x4  }
0x1c8: {  	v20 =	vadd.f32 v60, v1  }
0x1c9: {  	v29 =	vpop (erf)  }
0x1ca: {  	v20 =	vsub.f32 $0.0e+00, v20;
	v30 =	vpop (erf)  }
0x1cb: {  	v30 =	vadd.f32 $1.000000000e+00, v30  }
0x1cc: {  	v20 =	vmul.f32 $1.442695020e+00, v20  }
0x1cd: {  	(erf) = vrcp.f32 v30  }
0x1ce: {  	(erf) = vpow2.f32 v20;
	_ =	sdelay $0x1  }
0x1cf: {  	v61 =	vld [tilespmem:$0xA460];
	_ =	sdelay $0x4  }
0x1d0: {  	v20 =	vadd.f32 v61, v1  }
0x1d1: {  	v30 =	vpop (erf)  }
0x1d2: {  	v20 =	vsub.f32 $0.0e+00, v20;
	v31 =	vpop (erf)  }
0x1d3: {  	v31 =	vadd.f32 $1.000000000e+00, v31  }
0x1d4: {  	v20 =	vmul.f32 $1.442695020e+00, v20  }
0x1d5: {  	(erf) = vrcp.f32 v31  }
0x1d6: {  	(erf) = vpow2.f32 v20;
	_ =	sdelay $0x1  }
0x1d7: {  	v62 =	vld [tilespmem:$0xA470];
	_ =	sdelay $0x4  }
0x1d8: {  	v20 =	vadd.f32 v62, v1  }
0x1d9: {  	v31 =	vpop (erf)  }
0x1da: {  	v20 =	vsub.f32 $0.0e+00, v20;
	v32 =	vpop (erf)  }
0x1db: {  	v32 =	vadd.f32 $1.000000000e+00, v32  }
0x1dc: {  	v20 =	vmul.f32 $1.442695020e+00, v20  }
0x1dd: {  	(erf) = vrcp.f32 v32  }
0x1de: {  	(erf) = vpow2.f32 v20;
	_ =	sdelay $0x1  }
0x1df: {  	v63 =	vld [tilespmem:$0xA480];
	_ =	sdelay $0x1  }
0x1e0: {  	[tilespmem:$0xA290] =	vst v2  }
0x1e1: {  	[tilespmem:$0xA2A0] =	vst v3  }
0x1e2: {  	[tilespmem:$0xA2B0] =	vst v4  }
0x1e3: {  	[tilespmem:$0xA2C0] =	vst v5;
	v1 =	vadd.f32 v63, v1  }
0x1e4: {  	[tilespmem:$0xA2D0] =	vst v6;
	v2 =	vpop (erf)  }
0x1e5: {  	[tilespmem:$0xA2E0] =	vst v7;
	v1 =	vsub.f32 $0.0e+00, v1;
	v3 =	vpop (erf)  }
0x1e6: {  	[tilespmem:$0xA2F0] =	vst v8;
	v3 =	vadd.f32 $1.000000000e+00, v3  }
0x1e7: {  	[tilespmem:$0xA300] =	vst v9;
	v1 =	vmul.f32 $1.442695020e+00, v1  }
0x1e8: {  	[tilespmem:$0xA310] =	vst v10;
	(erf) = vrcp.f32 v3  }
0x1e9: {  	[tilespmem:$0xA320] =	vst v11;
	(erf) = vpow2.f32 v1  }
0x1ea: {  	[tilespmem:$0xA330] =	vst v12  }
0x1eb: {  	[tilespmem:$0xA340] =	vst v13  }
0x1ec: {  	[tilespmem:$0xA350] =	vst v36  }
0x1ed: {  	[tilespmem:$0xA360] =	vst v39  }
0x1ee: {  	[tilespmem:$0xA370] =	vst v42  }
0x1ef: {  	[tilespmem:$0xA380] =	vst v45  }
0x1f0: {  	[tilespmem:$0xA390] =	vst v48  }
0x1f1: {  	[tilespmem:$0xA3A0] =	vst v51;
	v1 =	vpop (erf)  }
0x1f2: {  	[tilespmem:$0xA3B0] =	vst v21;
	v3 =	vpop (erf)  }
0x1f3: {  	[tilespmem:$0xA3C0] =	vst v22;
	v3 =	vadd.f32 $1.000000000e+00, v3  }
0x1f4: {  	[tilespmem:$0xA3D0] =	vst v23  }
0x1f5: {  	[tilespmem:$0xA3E0] =	vst v24;
	(erf) = vrcp.f32 v3  }
0x1f6: {  	[tilespmem:$0xA3F0] =	vst v25  }
0x1f7: {  	[tilespmem:$0xA400] =	vst v26  }
0x1f8: {  	[tilespmem:$0xA410] =	vst v27  }
0x1f9: {  	[tilespmem:$0xA420] =	vst v28  }
0x1fa: {  	[tilespmem:$0xA430] =	vst v29  }
0x1fb: {  	[tilespmem:$0xA440] =	vst v30  }
0x1fc: {  	[tilespmem:$0xA450] =	vst v31  }
0x1fd: {  	s20 =	sadd.s32 $0x1, s20;
	[tilespmem:$0xA460] =	vst v2  }
0x1fe: {  	p0 =	sne.s32 s20, s10;
	[tilespmem:$0xA470] =	vst v1;
	v1 =	vpop (erf)  }
.Ltmp2:
0x1ff: {  	[tilespmem:$0xA480] =	vst v1;
	(pc) =	sbr.rel @p0 .LBB2_1-.Ltmp2, $4  }
0x200: {  	[hbm4b:s9+s2] =	stream.linear.scatter [tilespmem:s19], [sflag:$0x3], $0x200, $0x38;
	[tilespmem:$0xA4D0] =	vst v63  }
0x201: {  	_ =	swait.ge [sflag:s11], $0x200  }
0x202: {  	[sflag:s11] =	ssyncset.done $0x0  }
0x203: {  	[sflag:s11] =	ssyncadd.s32 $0xFFFFFE00  }
0x204: {  	_ =	sfence.sel $0x180000  }
0x205: {  	[bflag:$0x0] =	sbarrier.arrive $0xFFFF  }
0x206: {  	p0 =	sne.s32 s0, $0x0;
	_ =	strace $0x90000047  }
0x207: {  	s0 =	sadd.s32 @!p0 $0x100000, s1;
	[bflag:$0x2] =	sbarrier.arrive $0xFFFF  }
0x208: {  	[sflag:s0] =	ssyncadd.tile.s32 @!p0 $0x1;
	_ =	shalt  }
.Lfunc_end2:
_tile_overlayer_lowered:
.L_overlay_start_2:
0x209: {  	(tag) =	ssettag $0x2  }
0x20a: {  	s0 =	rddreg [dreg:$0x0];
	s2 =	stileid.u32  }
0x20b: {  	s1 =	rddreg [dreg:$0x1];
	p0 =	sne.s32 s2, $0x0  }
0x20c: {  	s3 =	rddreg [dreg:$0x2];
	[bflag:$0x3] =	sbarrier.arrive $0xFFFF;
	s2 =	simm.s32 @!p0 $0x1C03  }
0x20d: {  	[timem:s3], [sflag:s2] =	dma.local @!p0 [hbm:s0], s1  }
0x20e: {  	s0 =	simm.s32 @!p0 $0x3  }
0x20f: {  	_ =	swait.ge @!p0 [sflag:s0], s1  }
0x210: {  	s1 =	ssub.s32 @!p0 $0x0, s1;
	[sflag:s0] =	ssyncset.done @!p0 $0x0  }
0x211: {  	[sflag:s0] =	ssyncadd.s32 @!p0 s1  }
0x212: {  	[bflag:$0x3] =	sbarrier.arrive $0xFFFF  }
0x213: {  	_ =	shalt  }

</sc_bundles>
